<compile_context>
chip_gen: v7x
topology: tpu7x:2x2x1
jax: 0.10.2.dev20260603
libtpu: 0.0.44.dev20260713+nightly
codegen_flags: <defaults>
</compile_context>

<pallas_src>
import jax
import jax.numpy as jnp
from jax import lax
from jax.experimental import pallas as pl
from jax.experimental.pallas import tpu as pltpu
from jax.experimental.pallas import tpu_sc as plsc

_K = 32
_EPS = 1e-7
_B, _N = 64, 8192
_L = 16
_NV = _N // _L
_NS = 8
_VPS = _NV // _NS
_ROWS_PER_W = 2
_UNROLL = 4
_FPM = _NV // _VPS // _UNROLL


def _merge32(a0, a1, b0, b1):
    l0 = jnp.maximum(a0, lax.rev(b1, (0,)))
    l1 = jnp.maximum(a1, lax.rev(b0, (0,)))
    w = jnp.minimum(l0, l1)
    u = jnp.maximum(l0, l1)
    return w, u


def _merge_step(row_v, i, carry):
    new = []
    for s in range(_NS):
        a0, a1 = carry[2 * s], carry[2 * s + 1]
        v = row_v[pl.ds((s * _VPS + i) * _L, _L)]
        rs = lax.rev(lax.sort(v), (0,))
        l0 = jnp.maximum(a0, rs)
        w = jnp.minimum(l0, a1)
        u = jnp.maximum(l0, a1)
        new.append(lax.sort(w))
        new.append(lax.sort(u))
    return tuple(new)


def _reduce_top32(carry):
    bufs = [(carry[2 * s], carry[2 * s + 1]) for s in range(_NS)]
    while len(bufs) > 2:
        nxt = []
        for p in range(0, len(bufs), 2):
            (a0, a1), (b0, b1) = bufs[p], bufs[p + 1]
            w, u = _merge32(a0, a1, b0, b1)
            nxt.append((lax.sort(w), lax.sort(u)))
        bufs = nxt
    (a0, a1), (b0, b1) = bufs
    w, u = _merge32(a0, a1, b0, b1)

    kth = jnp.min(w)
    delta = jnp.full((_L,), kth, jnp.float32) + _EPS
    acc = jnp.maximum(w - delta, 0.0) + jnp.maximum(u - delta, 0.0)
    s_vec = jnp.full((_L,), jnp.sum(acc), jnp.float32) + _EPS
    inv = jnp.ones((_L,), jnp.float32) / s_vec
    return delta, inv


def _finalize_chunk(row_v, out_v, c, delta, inv):
    for j in range(_UNROLL):
        o = (c * _UNROLL + j) * _L
        v = row_v[pl.ds(o, _L)]
        out_v[pl.ds(o, _L)] = jnp.maximum(v - delta, 0.0) * inv


def _sc_body(x_hbm, out_hbm, row0_v, row1_v, out0_v, out1_v,
             sem0, sem1, osem0, osem1):
    wid = lax.axis_index("s") * 2 + lax.axis_index("c")
    r0 = wid * _ROWS_PER_W
    cp0 = pltpu.async_copy(x_hbm.at[r0], row0_v, sem0)
    cp1 = pltpu.async_copy(x_hbm.at[r0 + 1], row1_v, sem1)
    ninf = jnp.full((_L,), -jnp.inf, jnp.float32)

    cp0.wait()
    carry0 = lax.fori_loop(
        0, _VPS, lambda i, c: _merge_step(row0_v, i, c), (ninf,) * (2 * _NS))
    delta0, inv0 = _reduce_top32(carry0)

    cp1.wait()

    def fused(i, carry):
        out = _merge_step(row1_v, i, carry)
        for k in range(_FPM):
            _finalize_chunk(row0_v, out0_v, i * _FPM + k, delta0, inv0)
        return out
    carry1 = lax.fori_loop(0, _VPS, fused, (ninf,) * (2 * _NS))
    ocp0 = pltpu.async_copy(out0_v, out_hbm.at[r0], osem0)
    delta1, inv1 = _reduce_top32(carry1)

    def fstep(c, x):
        _finalize_chunk(row1_v, out1_v, c, delta1, inv1)
        return x
    lax.fori_loop(0, _NV // _UNROLL, fstep, 0)
    ocp1 = pltpu.async_copy(out1_v, out_hbm.at[r0 + 1], osem1)

    ocp0.wait()
    ocp1.wait()


@jax.jit
def _sc_call(attn_s):
    mesh = plsc.VectorSubcoreMesh(core_axis_name="c", subcore_axis_name="s")
    return pl.kernel(
        _sc_body,
        out_type=jax.ShapeDtypeStruct((_B, _N), jnp.float32),
        mesh=mesh,
        compiler_params=pltpu.CompilerParams(needs_layout_passes=False),
        scratch_types=[
            pltpu.VMEM((_N,), jnp.float32),
            pltpu.VMEM((_N,), jnp.float32),
            pltpu.VMEM((_N,), jnp.float32),
            pltpu.VMEM((_N,), jnp.float32),
            pltpu.SemaphoreType.DMA,
            pltpu.SemaphoreType.DMA,
            pltpu.SemaphoreType.DMA,
            pltpu.SemaphoreType.DMA,
        ],
    )(attn_s)


def kernel(attn_s):
    return _sc_call(attn_s)

# --- scband reference (transcript-rebuilt; emitter-appended) ---
"""Pipeline reference for scband-sparse-attention-28879360098670 (READ-ONLY COPY).

The authoritative reference and input builder live on the scoring server;
editing this copy changes nothing except your own understanding.
"""

import jax, jax.numpy as jnp
import numpy as np

TOP_K = 32

def setup_inputs(seed: int = 0) -> dict:
    key = jax.random.key(seed)
    attn_s = jax.random.uniform(key, (64, 8192), dtype=jnp.float32)
    return {"attn_s": attn_s}

def reference(attn_s):
    # Faithful JAX translation of Sparse_attention.forward
    eps = 1e-07
    time_step = attn_s.shape[1]
    if time_step <= TOP_K:
        return attn_s
    # delta = k-th largest value per row (+ eps), broadcast over time dimension
    topk_vals = jax.lax.top_k(attn_s, TOP_K)[0]  # [B, top_k], sorted descending
    delta = topk_vals[:, -1] + eps               # [B]
    attn_w = attn_s - delta[:, None]             # subtract threshold
    attn_w = jnp.clip(attn_w, 0.0)               # clamp(min=0)
    attn_w_sum = jnp.sum(attn_w, axis=1) + eps   # [B]
    attn_w_normalize = attn_w / attn_w_sum[:, None]
    return attn_w_normalize

if __name__ == "__main__":
    import jax
    _d = setup_inputs()
    print(jax.jit(kernel)(*tuple(_d.values())))

</pallas_src>

<mosaic_0001>
#map = affine_map<(d0, d1) -> (0, 0)>
module attributes {stable_mosaic.version = 14 : i64} {
  func.func @_sc_body(%arg0: i32, %arg1: i32, %arg2: memref<64x8192xf32, #tpu.memory_space<hbm>>, %arg3: memref<64x8192xf32, #tpu.memory_space<hbm>>, %arg4: memref<8192xf32, #tpu.memory_space<vmem>>, %arg5: memref<8192xf32, #tpu.memory_space<vmem>>, %arg6: memref<8192xf32, #tpu.memory_space<vmem>>, %arg7: memref<8192xf32, #tpu.memory_space<vmem>>, %arg8: memref<!tpu.dma_semaphore, #tpu.memory_space<semaphore_mem>>, %arg9: memref<!tpu.dma_semaphore, #tpu.memory_space<semaphore_mem>>, %arg10: memref<!tpu.dma_semaphore, #tpu.memory_space<semaphore_mem>>, %arg11: memref<!tpu.dma_semaphore, #tpu.memory_space<semaphore_mem>>) attributes {dimension_semantics = [#tpu.dimension_semantics<core_parallel>, #tpu.dimension_semantics<subcore_parallel>], iteration_bounds = array<i64: 2, 16>, scalar_prefetch = 0 : i64, scratch_operands = 8 : i64, tpu.core_type = #tpu.core_type<sc_vector_subcore>, window_params = [{transform_indices = #map}, {transform_indices = #map}]} {
    %mul3A = arith.constant 2 : i32
    %mul3A_0 = arith.muli %arg1, %mul3A : i32
    %add3A = arith.addi %mul3A_0, %arg0 : i32
    %mul3A_1 = arith.constant 2 : i32
    %mul3A_2 = arith.muli %add3A, %mul3A_1 : i32
    %dma_start3A = arith.constant 0 : i32
    %dma_start3A_3 = tpu.memref_slice %arg2[%mul3A_2, %dma_start3A] : memref<64x8192xf32, #tpu.memory_space<hbm>> -> memref<1x8192xf32, #tpu.memory_space<hbm>>
    %dma_start3A_4 = tpu.memref_squeeze %dma_start3A_3 : memref<1x8192xf32, #tpu.memory_space<hbm>> -> memref<8192xf32, #tpu.memory_space<hbm>>
    %dma_start3A_5 = arith.constant 0 : i32
    %dma_start3A_6 = tpu.memref_slice %arg2[%mul3A_2, %dma_start3A_5] : memref<64x8192xf32, #tpu.memory_space<hbm>> -> memref<1x8192xf32, #tpu.memory_space<hbm>>
    %dma_start3A_7 = tpu.memref_squeeze %dma_start3A_6 : memref<1x8192xf32, #tpu.memory_space<hbm>> -> memref<8192xf32, #tpu.memory_space<hbm>>
    tpu.enqueue_dma source(%dma_start3A_7 : memref<8192xf32, #tpu.memory_space<hbm>>) target(%arg4 : memref<8192xf32, #tpu.memory_space<vmem>>) target_semaphore(%arg8 : memref<!tpu.dma_semaphore, #tpu.memory_space<semaphore_mem>>)
    %add3A_8 = arith.constant 1 : i32
    %add3A_9 = arith.addi %mul3A_2, %add3A_8 : i32
    %dma_start3A_10 = arith.constant 0 : i32
    %dma_start3A_11 = tpu.memref_slice %arg2[%add3A_9, %dma_start3A_10] : memref<64x8192xf32, #tpu.memory_space<hbm>> -> memref<1x8192xf32, #tpu.memory_space<hbm>>
    %dma_start3A_12 = tpu.memref_squeeze %dma_start3A_11 : memref<1x8192xf32, #tpu.memory_space<hbm>> -> memref<8192xf32, #tpu.memory_space<hbm>>
    %dma_start3A_13 = arith.constant 0 : i32
    %dma_start3A_14 = tpu.memref_slice %arg2[%add3A_9, %dma_start3A_13] : memref<64x8192xf32, #tpu.memory_space<hbm>> -> memref<1x8192xf32, #tpu.memory_space<hbm>>
    %dma_start3A_15 = tpu.memref_squeeze %dma_start3A_14 : memref<1x8192xf32, #tpu.memory_space<hbm>> -> memref<8192xf32, #tpu.memory_space<hbm>>
    tpu.enqueue_dma source(%dma_start3A_15 : memref<8192xf32, #tpu.memory_space<hbm>>) target(%arg5 : memref<8192xf32, #tpu.memory_space<vmem>>) target_semaphore(%arg9 : memref<!tpu.dma_semaphore, #tpu.memory_space<semaphore_mem>>)
    %broadcast_in_dim3A = arith.constant 0xFF800000 : f32
    %broadcast_in_dim3A_16 = vector.broadcast %broadcast_in_dim3A : f32 to vector<16xf32>
    %dma_wait3A = arith.constant 0 : i32
    %dma_wait3A_17 = tpu.memref_slice %arg2[%mul3A_2, %dma_wait3A] : memref<64x8192xf32, #tpu.memory_space<hbm>> -> memref<1x8192xf32, #tpu.memory_space<hbm>>
    %dma_wait3A_18 = tpu.memref_squeeze %dma_wait3A_17 : memref<1x8192xf32, #tpu.memory_space<hbm>> -> memref<8192xf32, #tpu.memory_space<hbm>>
    %dma_wait3A_19 = arith.constant 0 : i32
    %dma_wait3A_20 = tpu.memref_slice %arg2[%mul3A_2, %dma_wait3A_19] : memref<64x8192xf32, #tpu.memory_space<hbm>> -> memref<1x8192xf32, #tpu.memory_space<hbm>>
    %dma_wait3A_21 = tpu.memref_squeeze %dma_wait3A_20 : memref<1x8192xf32, #tpu.memory_space<hbm>> -> memref<8192xf32, #tpu.memory_space<hbm>>
    tpu.wait_dma2 semaphore(%arg8 : memref<!tpu.dma_semaphore, #tpu.memory_space<semaphore_mem>>) src(%dma_wait3A_21 : memref<8192xf32, #tpu.memory_space<hbm>>) dst(%arg4 : memref<8192xf32, #tpu.memory_space<vmem>>)
    %scan3A = arith.constant 0 : i32
    %scan3A_22 = arith.constant 64 : i32
    %scan3A_23 = arith.addi %scan3A, %scan3A_22 : i32
    %scan3A_24 = arith.constant 1 : i32
    %scan3A_25:16 = scf.for %scan3A_411 = %scan3A to %scan3A_23 step %scan3A_24 iter_args(%scan3A_412 = %broadcast_in_dim3A_16, %scan3A_413 = %broadcast_in_dim3A_16, %scan3A_414 = %broadcast_in_dim3A_16, %scan3A_415 = %broadcast_in_dim3A_16, %scan3A_416 = %broadcast_in_dim3A_16, %scan3A_417 = %broadcast_in_dim3A_16, %scan3A_418 = %broadcast_in_dim3A_16, %scan3A_419 = %broadcast_in_dim3A_16, %scan3A_420 = %broadcast_in_dim3A_16, %scan3A_421 = %broadcast_in_dim3A_16, %scan3A_422 = %broadcast_in_dim3A_16, %scan3A_423 = %broadcast_in_dim3A_16, %scan3A_424 = %broadcast_in_dim3A_16, %scan3A_425 = %broadcast_in_dim3A_16, %scan3A_426 = %broadcast_in_dim3A_16, %scan3A_427 = %broadcast_in_dim3A_16) -> (vector<16xf32>, vector<16xf32>, vector<16xf32>, vector<16xf32>, vector<16xf32>, vector<16xf32>, vector<16xf32>, vector<16xf32>, vector<16xf32>, vector<16xf32>, vector<16xf32>, vector<16xf32>, vector<16xf32>, vector<16xf32>, vector<16xf32>, vector<16xf32>)  : i32 {
      %add3A_428 = arith.constant 0 : i32
      %add3A_429 = arith.addi %add3A_428, %scan3A_411 : i32
      %mul3A_430 = arith.constant 16 : i32
      %mul3A_431 = arith.muli %add3A_429, %mul3A_430 : i32
      %get3A = arith.index_cast %mul3A_431 : i32 to index
      %get3A_432 = tpu.vector_load %arg4[%get3A] {strides = array<i32>} : memref<8192xf32, #tpu.memory_space<vmem>>, vector<16xf32>,
      %sort3A_433 = arith.constant dense<true> : vector<16xi1>
      %sort3A_434, %sort3A_435, %sort3A_436 = tpu.sort %get3A_432, %get3A_432 masked %sort3A_433 : (vector<16xf32>, vector<16xf32>, vector<16xi1>) -> (vector<16xi1>, vector<16xf32>, vector<16xf32>)
      %rev3A_437 = arith.constant 15 : i32
      %rev3A_438 = vector.broadcast %rev3A_437 : i32 to vector<16xi32>
      %rev3A_439 = tpu.iota {dimensions = array<i32: 0>} : vector<16xi32>
      %rev3A_440 = arith.subi %rev3A_438, %rev3A_439 : vector<16xi32>
      %rev3A_441 = tpu.dynamic_gather %sort3A_435[%rev3A_440] in [0] : vector<16xf32>, vector<16xi32> -> vector<16xf32>
      %max3A_442 = arith.maximumf %scan3A_412, %rev3A_441 : vector<16xf32>
      %min3A_443 = arith.minimumf %max3A_442, %scan3A_413 : vector<16xf32>
      %max3A_444 = arith.maximumf %max3A_442, %scan3A_413 : vector<16xf32>
      %sort3A_445 = arith.constant dense<true> : vector<16xi1>
      %sort3A_446, %sort3A_447, %sort3A_448 = tpu.sort %min3A_443, %min3A_443 masked %sort3A_445 : (vector<16xf32>, vector<16xf32>, vector<16xi1>) -> (vector<16xi1>, vector<16xf32>, vector<16xf32>)
      %sort3A_449 = arith.constant dense<true> : vector<16xi1>
      %sort3A_450, %sort3A_451, %sort3A_452 = tpu.sort %max3A_444, %max3A_444 masked %sort3A_449 : (vector<16xf32>, vector<16xf32>, vector<16xi1>) -> (vector<16xi1>, vector<16xf32>, vector<16xf32>)
      %add3A_453 = arith.constant 64 : i32
      %add3A_454 = arith.addi %add3A_453, %scan3A_411 : i32
      %mul3A_455 = arith.constant 16 : i32
      %mul3A_456 = arith.muli %add3A_454, %mul3A_455 : i32
      %get3A_457 = arith.index_cast %mul3A_456 : i32 to index
      %get3A_458 = tpu.vector_load %arg4[%get3A_457] {strides = array<i32>} : memref<8192xf32, #tpu.memory_space<vmem>>, vector<16xf32>,
      %sort3A_459 = arith.constant dense<true> : vector<16xi1>
      %sort3A_460, %sort3A_461, %sort3A_462 = tpu.sort %get3A_458, %get3A_458 masked %sort3A_459 : (vector<16xf32>, vector<16xf32>, vector<16xi1>) -> (vector<16xi1>, vector<16xf32>, vector<16xf32>)
      %rev3A_463 = arith.constant 15 : i32
      %rev3A_464 = vector.broadcast %rev3A_463 : i32 to vector<16xi32>
      %rev3A_465 = tpu.iota {dimensions = array<i32: 0>} : vector<16xi32>
      %rev3A_466 = arith.subi %rev3A_464, %rev3A_465 : vector<16xi32>
      %rev3A_467 = tpu.dynamic_gather %sort3A_461[%rev3A_466] in [0] : vector<16xf32>, vector<16xi32> -> vector<16xf32>
      %max3A_468 = arith.maximumf %scan3A_414, %rev3A_467 : vector<16xf32>
      %min3A_469 = arith.minimumf %max3A_468, %scan3A_415 : vector<16xf32>
      %max3A_470 = arith.maximumf %max3A_468, %scan3A_415 : vector<16xf32>
      %sort3A_471 = arith.constant dense<true> : vector<16xi1>
      %sort3A_472, %sort3A_473, %sort3A_474 = tpu.sort %min3A_469, %min3A_469 masked %sort3A_471 : (vector<16xf32>, vector<16xf32>, vector<16xi1>) -> (vector<16xi1>, vector<16xf32>, vector<16xf32>)
      %sort3A_475 = arith.constant dense<true> : vector<16xi1>
      %sort3A_476, %sort3A_477, %sort3A_478 = tpu.sort %max3A_470, %max3A_470 masked %sort3A_475 : (vector<16xf32>, vector<16xf32>, vector<16xi1>) -> (vector<16xi1>, vector<16xf32>, vector<16xf32>)
      %add3A_479 = arith.constant 128 : i32
      %add3A_480 = arith.addi %add3A_479, %scan3A_411 : i32
      %mul3A_481 = arith.constant 16 : i32
      %mul3A_482 = arith.muli %add3A_480, %mul3A_481 : i32
      %get3A_483 = arith.index_cast %mul3A_482 : i32 to index
      %get3A_484 = tpu.vector_load %arg4[%get3A_483] {strides = array<i32>} : memref<8192xf32, #tpu.memory_space<vmem>>, vector<16xf32>,
      %sort3A_485 = arith.constant dense<true> : vector<16xi1>
      %sort3A_486, %sort3A_487, %sort3A_488 = tpu.sort %get3A_484, %get3A_484 masked %sort3A_485 : (vector<16xf32>, vector<16xf32>, vector<16xi1>) -> (vector<16xi1>, vector<16xf32>, vector<16xf32>)
      %rev3A_489 = arith.constant 15 : i32
      %rev3A_490 = vector.broadcast %rev3A_489 : i32 to vector<16xi32>
      %rev3A_491 = tpu.iota {dimensions = array<i32: 0>} : vector<16xi32>
      %rev3A_492 = arith.subi %rev3A_490, %rev3A_491 : vector<16xi32>
      %rev3A_493 = tpu.dynamic_gather %sort3A_487[%rev3A_492] in [0] : vector<16xf32>, vector<16xi32> -> vector<16xf32>
      %max3A_494 = arith.maximumf %scan3A_416, %rev3A_493 : vector<16xf32>
      %min3A_495 = arith.minimumf %max3A_494, %scan3A_417 : vector<16xf32>
      %max3A_496 = arith.maximumf %max3A_494, %scan3A_417 : vector<16xf32>
      %sort3A_497 = arith.constant dense<true> : vector<16xi1>
      %sort3A_498, %sort3A_499, %sort3A_500 = tpu.sort %min3A_495, %min3A_495 masked %sort3A_497 : (vector<16xf32>, vector<16xf32>, vector<16xi1>) -> (vector<16xi1>, vector<16xf32>, vector<16xf32>)
      %sort3A_501 = arith.constant dense<true> : vector<16xi1>
      %sort3A_502, %sort3A_503, %sort3A_504 = tpu.sort %max3A_496, %max3A_496 masked %sort3A_501 : (vector<16xf32>, vector<16xf32>, vector<16xi1>) -> (vector<16xi1>, vector<16xf32>, vector<16xf32>)
      %add3A_505 = arith.constant 192 : i32
      %add3A_506 = arith.addi %add3A_505, %scan3A_411 : i32
      %mul3A_507 = arith.constant 16 : i32
      %mul3A_508 = arith.muli %add3A_506, %mul3A_507 : i32
      %get3A_509 = arith.index_cast %mul3A_508 : i32 to index
      %get3A_510 = tpu.vector_load %arg4[%get3A_509] {strides = array<i32>} : memref<8192xf32, #tpu.memory_space<vmem>>, vector<16xf32>,
      %sort3A_511 = arith.constant dense<true> : vector<16xi1>
      %sort3A_512, %sort3A_513, %sort3A_514 = tpu.sort %get3A_510, %get3A_510 masked %sort3A_511 : (vector<16xf32>, vector<16xf32>, vector<16xi1>) -> (vector<16xi1>, vector<16xf32>, vector<16xf32>)
      %rev3A_515 = arith.constant 15 : i32
      %rev3A_516 = vector.broadcast %rev3A_515 : i32 to vector<16xi32>
      %rev3A_517 = tpu.iota {dimensions = array<i32: 0>} : vector<16xi32>
      %rev3A_518 = arith.subi %rev3A_516, %rev3A_517 : vector<16xi32>
      %rev3A_519 = tpu.dynamic_gather %sort3A_513[%rev3A_518] in [0] : vector<16xf32>, vector<16xi32> -> vector<16xf32>
      %max3A_520 = arith.maximumf %scan3A_418, %rev3A_519 : vector<16xf32>
      %min3A_521 = arith.minimumf %max3A_520, %scan3A_419 : vector<16xf32>
      %max3A_522 = arith.maximumf %max3A_520, %scan3A_419 : vector<16xf32>
      %sort3A_523 = arith.constant dense<true> : vector<16xi1>
      %sort3A_524, %sort3A_525, %sort3A_526 = tpu.sort %min3A_521, %min3A_521 masked %sort3A_523 : (vector<16xf32>, vector<16xf32>, vector<16xi1>) -> (vector<16xi1>, vector<16xf32>, vector<16xf32>)
      %sort3A_527 = arith.constant dense<true> : vector<16xi1>
      %sort3A_528, %sort3A_529, %sort3A_530 = tpu.sort %max3A_522, %max3A_522 masked %sort3A_527 : (vector<16xf32>, vector<16xf32>, vector<16xi1>) -> (vector<16xi1>, vector<16xf32>, vector<16xf32>)
      %add3A_531 = arith.constant 256 : i32
      %add3A_532 = arith.addi %add3A_531, %scan3A_411 : i32
      %mul3A_533 = arith.constant 16 : i32
      %mul3A_534 = arith.muli %add3A_532, %mul3A_533 : i32
      %get3A_535 = arith.index_cast %mul3A_534 : i32 to index
      %get3A_536 = tpu.vector_load %arg4[%get3A_535] {strides = array<i32>} : memref<8192xf32, #tpu.memory_space<vmem>>, vector<16xf32>,
      %sort3A_537 = arith.constant dense<true> : vector<16xi1>
      %sort3A_538, %sort3A_539, %sort3A_540 = tpu.sort %get3A_536, %get3A_536 masked %sort3A_537 : (vector<16xf32>, vector<16xf32>, vector<16xi1>) -> (vector<16xi1>, vector<16xf32>, vector<16xf32>)
      %rev3A_541 = arith.constant 15 : i32
      %rev3A_542 = vector.broadcast %rev3A_541 : i32 to vector<16xi32>
      %rev3A_543 = tpu.iota {dimensions = array<i32: 0>} : vector<16xi32>
      %rev3A_544 = arith.subi %rev3A_542, %rev3A_543 : vector<16xi32>
      %rev3A_545 = tpu.dynamic_gather %sort3A_539[%rev3A_544] in [0] : vector<16xf32>, vector<16xi32> -> vector<16xf32>
      %max3A_546 = arith.maximumf %scan3A_420, %rev3A_545 : vector<16xf32>
      %min3A_547 = arith.minimumf %max3A_546, %scan3A_421 : vector<16xf32>
      %max3A_548 = arith.maximumf %max3A_546, %scan3A_421 : vector<16xf32>
      %sort3A_549 = arith.constant dense<true> : vector<16xi1>
      %sort3A_550, %sort3A_551, %sort3A_552 = tpu.sort %min3A_547, %min3A_547 masked %sort3A_549 : (vector<16xf32>, vector<16xf32>, vector<16xi1>) -> (vector<16xi1>, vector<16xf32>, vector<16xf32>)
      %sort3A_553 = arith.constant dense<true> : vector<16xi1>
      %sort3A_554, %sort3A_555, %sort3A_556 = tpu.sort %max3A_548, %max3A_548 masked %sort3A_553 : (vector<16xf32>, vector<16xf32>, vector<16xi1>) -> (vector<16xi1>, vector<16xf32>, vector<16xf32>)
      %add3A_557 = arith.constant 320 : i32
      %add3A_558 = arith.addi %add3A_557, %scan3A_411 : i32
      %mul3A_559 = arith.constant 16 : i32
      %mul3A_560 = arith.muli %add3A_558, %mul3A_559 : i32
      %get3A_561 = arith.index_cast %mul3A_560 : i32 to index
      %get3A_562 = tpu.vector_load %arg4[%get3A_561] {strides = array<i32>} : memref<8192xf32, #tpu.memory_space<vmem>>, vector<16xf32>,
      %sort3A_563 = arith.constant dense<true> : vector<16xi1>
      %sort3A_564, %sort3A_565, %sort3A_566 = tpu.sort %get3A_562, %get3A_562 masked %sort3A_563 : (vector<16xf32>, vector<16xf32>, vector<16xi1>) -> (vector<16xi1>, vector<16xf32>, vector<16xf32>)
      %rev3A_567 = arith.constant 15 : i32
      %rev3A_568 = vector.broadcast %rev3A_567 : i32 to vector<16xi32>
      %rev3A_569 = tpu.iota {dimensions = array<i32: 0>} : vector<16xi32>
      %rev3A_570 = arith.subi %rev3A_568, %rev3A_569 : vector<16xi32>
      %rev3A_571 = tpu.dynamic_gather %sort3A_565[%rev3A_570] in [0] : vector<16xf32>, vector<16xi32> -> vector<16xf32>
      %max3A_572 = arith.maximumf %scan3A_422, %rev3A_571 : vector<16xf32>
      %min3A_573 = arith.minimumf %max3A_572, %scan3A_423 : vector<16xf32>
      %max3A_574 = arith.maximumf %max3A_572, %scan3A_423 : vector<16xf32>
      %sort3A_575 = arith.constant dense<true> : vector<16xi1>
      %sort3A_576, %sort3A_577, %sort3A_578 = tpu.sort %min3A_573, %min3A_573 masked %sort3A_575 : (vector<16xf32>, vector<16xf32>, vector<16xi1>) -> (vector<16xi1>, vector<16xf32>, vector<16xf32>)
      %sort3A_579 = arith.constant dense<true> : vector<16xi1>
      %sort3A_580, %sort3A_581, %sort3A_582 = tpu.sort %max3A_574, %max3A_574 masked %sort3A_579 : (vector<16xf32>, vector<16xf32>, vector<16xi1>) -> (vector<16xi1>, vector<16xf32>, vector<16xf32>)
      %add3A_583 = arith.constant 384 : i32
      %add3A_584 = arith.addi %add3A_583, %scan3A_411 : i32
      %mul3A_585 = arith.constant 16 : i32
      %mul3A_586 = arith.muli %add3A_584, %mul3A_585 : i32
      %get3A_587 = arith.index_cast %mul3A_586 : i32 to index
      %get3A_588 = tpu.vector_load %arg4[%get3A_587] {strides = array<i32>} : memref<8192xf32, #tpu.memory_space<vmem>>, vector<16xf32>,
      %sort3A_589 = arith.constant dense<true> : vector<16xi1>
      %sort3A_590, %sort3A_591, %sort3A_592 = tpu.sort %get3A_588, %get3A_588 masked %sort3A_589 : (vector<16xf32>, vector<16xf32>, vector<16xi1>) -> (vector<16xi1>, vector<16xf32>, vector<16xf32>)
      %rev3A_593 = arith.constant 15 : i32
      %rev3A_594 = vector.broadcast %rev3A_593 : i32 to vector<16xi32>
      %rev3A_595 = tpu.iota {dimensions = array<i32: 0>} : vector<16xi32>
      %rev3A_596 = arith.subi %rev3A_594, %rev3A_595 : vector<16xi32>
      %rev3A_597 = tpu.dynamic_gather %sort3A_591[%rev3A_596] in [0] : vector<16xf32>, vector<16xi32> -> vector<16xf32>
      %max3A_598 = arith.maximumf %scan3A_424, %rev3A_597 : vector<16xf32>
      %min3A_599 = arith.minimumf %max3A_598, %scan3A_425 : vector<16xf32>
      %max3A_600 = arith.maximumf %max3A_598, %scan3A_425 : vector<16xf32>
      %sort3A_601 = arith.constant dense<true> : vector<16xi1>
      %sort3A_602, %sort3A_603, %sort3A_604 = tpu.sort %min3A_599, %min3A_599 masked %sort3A_601 : (vector<16xf32>, vector<16xf32>, vector<16xi1>) -> (vector<16xi1>, vector<16xf32>, vector<16xf32>)
      %sort3A_605 = arith.constant dense<true> : vector<16xi1>
      %sort3A_606, %sort3A_607, %sort3A_608 = tpu.sort %max3A_600, %max3A_600 masked %sort3A_605 : (vector<16xf32>, vector<16xf32>, vector<16xi1>) -> (vector<16xi1>, vector<16xf32>, vector<16xf32>)
      %add3A_609 = arith.constant 448 : i32
      %add3A_610 = arith.addi %add3A_609, %scan3A_411 : i32
      %mul3A_611 = arith.constant 16 : i32
      %mul3A_612 = arith.muli %add3A_610, %mul3A_611 : i32
      %get3A_613 = arith.index_cast %mul3A_612 : i32 to index
      %get3A_614 = tpu.vector_load %arg4[%get3A_613] {strides = array<i32>} : memref<8192xf32, #tpu.memory_space<vmem>>, vector<16xf32>,
      %sort3A_615 = arith.constant dense<true> : vector<16xi1>
      %sort3A_616, %sort3A_617, %sort3A_618 = tpu.sort %get3A_614, %get3A_614 masked %sort3A_615 : (vector<16xf32>, vector<16xf32>, vector<16xi1>) -> (vector<16xi1>, vector<16xf32>, vector<16xf32>)
      %rev3A_619 = arith.constant 15 : i32
      %rev3A_620 = vector.broadcast %rev3A_619 : i32 to vector<16xi32>
      %rev3A_621 = tpu.iota {dimensions = array<i32: 0>} : vector<16xi32>
      %rev3A_622 = arith.subi %rev3A_620, %rev3A_621 : vector<16xi32>
      %rev3A_623 = tpu.dynamic_gather %sort3A_617[%rev3A_622] in [0] : vector<16xf32>, vector<16xi32> -> vector<16xf32>
      %max3A_624 = arith.maximumf %scan3A_426, %rev3A_623 : vector<16xf32>
      %min3A_625 = arith.minimumf %max3A_624, %scan3A_427 : vector<16xf32>
      %max3A_626 = arith.maximumf %max3A_624, %scan3A_427 : vector<16xf32>
      %sort3A_627 = arith.constant dense<true> : vector<16xi1>
      %sort3A_628, %sort3A_629, %sort3A_630 = tpu.sort %min3A_625, %min3A_625 masked %sort3A_627 : (vector<16xf32>, vector<16xf32>, vector<16xi1>) -> (vector<16xi1>, vector<16xf32>, vector<16xf32>)
      %sort3A_631 = arith.constant dense<true> : vector<16xi1>
      %sort3A_632, %sort3A_633, %sort3A_634 = tpu.sort %max3A_626, %max3A_626 masked %sort3A_631 : (vector<16xf32>, vector<16xf32>, vector<16xi1>) -> (vector<16xi1>, vector<16xf32>, vector<16xf32>)
      scf.yield %sort3A_447, %sort3A_451, %sort3A_473, %sort3A_477, %sort3A_499, %sort3A_503, %sort3A_525, %sort3A_529, %sort3A_551, %sort3A_555, %sort3A_577, %sort3A_581, %sort3A_603, %sort3A_607, %sort3A_629, %sort3A_633 : vector<16xf32>, vector<16xf32>, vector<16xf32>, vector<16xf32>, vector<16xf32>, vector<16xf32>, vector<16xf32>, vector<16xf32>, vector<16xf32>, vector<16xf32>, vector<16xf32>, vector<16xf32>, vector<16xf32>, vector<16xf32>, vector<16xf32>, vector<16xf32>
    }
    %scan3A_26 = arith.constant 64 : i32
    %rev3A = arith.constant 15 : i32
    %rev3A_27 = vector.broadcast %rev3A : i32 to vector<16xi32>
    %rev3A_28 = tpu.iota {dimensions = array<i32: 0>} : vector<16xi32>
    %rev3A_29 = arith.subi %rev3A_27, %rev3A_28 : vector<16xi32>
    %rev3A_30 = tpu.dynamic_gather %scan3A_25#3[%rev3A_29] in [0] : vector<16xf32>, vector<16xi32> -> vector<16xf32>
    %max3A = arith.maximumf %scan3A_25#0, %rev3A_30 : vector<16xf32>
    %rev3A_31 = arith.constant 15 : i32
    %rev3A_32 = vector.broadcast %rev3A_31 : i32 to vector<16xi32>
    %rev3A_33 = tpu.iota {dimensions = array<i32: 0>} : vector<16xi32>
    %rev3A_34 = arith.subi %rev3A_32, %rev3A_33 : vector<16xi32>
    %rev3A_35 = tpu.dynamic_gather %scan3A_25#2[%rev3A_34] in [0] : vector<16xf32>, vector<16xi32> -> vector<16xf32>
    %max3A_36 = arith.maximumf %scan3A_25#1, %rev3A_35 : vector<16xf32>
    %min3A = arith.minimumf %max3A, %max3A_36 : vector<16xf32>
    %max3A_37 = arith.maximumf %max3A, %max3A_36 : vector<16xf32>
    %sort3A = arith.constant dense<true> : vector<16xi1>
    %sort3A_38, %sort3A_39, %sort3A_40 = tpu.sort %min3A, %min3A masked %sort3A : (vector<16xf32>, vector<16xf32>, vector<16xi1>) -> (vector<16xi1>, vector<16xf32>, vector<16xf32>)
    %sort3A_41 = arith.constant dense<true> : vector<16xi1>
    %sort3A_42, %sort3A_43, %sort3A_44 = tpu.sort %max3A_37, %max3A_37 masked %sort3A_41 : (vector<16xf32>, vector<16xf32>, vector<16xi1>) -> (vector<16xi1>, vector<16xf32>, vector<16xf32>)
    %rev3A_45 = arith.constant 15 : i32
    %rev3A_46 = vector.broadcast %rev3A_45 : i32 to vector<16xi32>
    %rev3A_47 = tpu.iota {dimensions = array<i32: 0>} : vector<16xi32>
    %rev3A_48 = arith.subi %rev3A_46, %rev3A_47 : vector<16xi32>
    %rev3A_49 = tpu.dynamic_gather %scan3A_25#7[%rev3A_48] in [0] : vector<16xf32>, vector<16xi32> -> vector<16xf32>
    %max3A_50 = arith.maximumf %scan3A_25#4, %rev3A_49 : vector<16xf32>
    %rev3A_51 = arith.constant 15 : i32
    %rev3A_52 = vector.broadcast %rev3A_51 : i32 to vector<16xi32>
    %rev3A_53 = tpu.iota {dimensions = array<i32: 0>} : vector<16xi32>
    %rev3A_54 = arith.subi %rev3A_52, %rev3A_53 : vector<16xi32>
    %rev3A_55 = tpu.dynamic_gather %scan3A_25#6[%rev3A_54] in [0] : vector<16xf32>, vector<16xi32> -> vector<16xf32>
    %max3A_56 = arith.maximumf %scan3A_25#5, %rev3A_55 : vector<16xf32>
    %min3A_57 = arith.minimumf %max3A_50, %max3A_56 : vector<16xf32>
    %max3A_58 = arith.maximumf %max3A_50, %max3A_56 : vector<16xf32>
    %sort3A_59 = arith.constant dense<true> : vector<16xi1>
    %sort3A_60, %sort3A_61, %sort3A_62 = tpu.sort %min3A_57, %min3A_57 masked %sort3A_59 : (vector<16xf32>, vector<16xf32>, vector<16xi1>) -> (vector<16xi1>, vector<16xf32>, vector<16xf32>)
    %sort3A_63 = arith.constant dense<true> : vector<16xi1>
    %sort3A_64, %sort3A_65, %sort3A_66 = tpu.sort %max3A_58, %max3A_58 masked %sort3A_63 : (vector<16xf32>, vector<16xf32>, vector<16xi1>) -> (vector<16xi1>, vector<16xf32>, vector<16xf32>)
    %rev3A_67 = arith.constant 15 : i32
    %rev3A_68 = vector.broadcast %rev3A_67 : i32 to vector<16xi32>
    %rev3A_69 = tpu.iota {dimensions = array<i32: 0>} : vector<16xi32>
    %rev3A_70 = arith.subi %rev3A_68, %rev3A_69 : vector<16xi32>
    %rev3A_71 = tpu.dynamic_gather %scan3A_25#11[%rev3A_70] in [0] : vector<16xf32>, vector<16xi32> -> vector<16xf32>
    %max3A_72 = arith.maximumf %scan3A_25#8, %rev3A_71 : vector<16xf32>
    %rev3A_73 = arith.constant 15 : i32
    %rev3A_74 = vector.broadcast %rev3A_73 : i32 to vector<16xi32>
    %rev3A_75 = tpu.iota {dimensions = array<i32: 0>} : vector<16xi32>
    %rev3A_76 = arith.subi %rev3A_74, %rev3A_75 : vector<16xi32>
    %rev3A_77 = tpu.dynamic_gather %scan3A_25#10[%rev3A_76] in [0] : vector<16xf32>, vector<16xi32> -> vector<16xf32>
    %max3A_78 = arith.maximumf %scan3A_25#9, %rev3A_77 : vector<16xf32>
    %min3A_79 = arith.minimumf %max3A_72, %max3A_78 : vector<16xf32>
    %max3A_80 = arith.maximumf %max3A_72, %max3A_78 : vector<16xf32>
    %sort3A_81 = arith.constant dense<true> : vector<16xi1>
    %sort3A_82, %sort3A_83, %sort3A_84 = tpu.sort %min3A_79, %min3A_79 masked %sort3A_81 : (vector<16xf32>, vector<16xf32>, vector<16xi1>) -> (vector<16xi1>, vector<16xf32>, vector<16xf32>)
    %sort3A_85 = arith.constant dense<true> : vector<16xi1>
    %sort3A_86, %sort3A_87, %sort3A_88 = tpu.sort %max3A_80, %max3A_80 masked %sort3A_85 : (vector<16xf32>, vector<16xf32>, vector<16xi1>) -> (vector<16xi1>, vector<16xf32>, vector<16xf32>)
    %rev3A_89 = arith.constant 15 : i32
    %rev3A_90 = vector.broadcast %rev3A_89 : i32 to vector<16xi32>
    %rev3A_91 = tpu.iota {dimensions = array<i32: 0>} : vector<16xi32>
    %rev3A_92 = arith.subi %rev3A_90, %rev3A_91 : vector<16xi32>
    %rev3A_93 = tpu.dynamic_gather %scan3A_25#15[%rev3A_92] in [0] : vector<16xf32>, vector<16xi32> -> vector<16xf32>
    %max3A_94 = arith.maximumf %scan3A_25#12, %rev3A_93 : vector<16xf32>
    %rev3A_95 = arith.constant 15 : i32
    %rev3A_96 = vector.broadcast %rev3A_95 : i32 to vector<16xi32>
    %rev3A_97 = tpu.iota {dimensions = array<i32: 0>} : vector<16xi32>
    %rev3A_98 = arith.subi %rev3A_96, %rev3A_97 : vector<16xi32>
    %rev3A_99 = tpu.dynamic_gather %scan3A_25#14[%rev3A_98] in [0] : vector<16xf32>, vector<16xi32> -> vector<16xf32>
    %max3A_100 = arith.maximumf %scan3A_25#13, %rev3A_99 : vector<16xf32>
    %min3A_101 = arith.minimumf %max3A_94, %max3A_100 : vector<16xf32>
    %max3A_102 = arith.maximumf %max3A_94, %max3A_100 : vector<16xf32>
    %sort3A_103 = arith.constant dense<true> : vector<16xi1>
    %sort3A_104, %sort3A_105, %sort3A_106 = tpu.sort %min3A_101, %min3A_101 masked %sort3A_103 : (vector<16xf32>, vector<16xf32>, vector<16xi1>) -> (vector<16xi1>, vector<16xf32>, vector<16xf32>)
    %sort3A_107 = arith.constant dense<true> : vector<16xi1>
    %sort3A_108, %sort3A_109, %sort3A_110 = tpu.sort %max3A_102, %max3A_102 masked %sort3A_107 : (vector<16xf32>, vector<16xf32>, vector<16xi1>) -> (vector<16xi1>, vector<16xf32>, vector<16xf32>)
    %rev3A_111 = arith.constant 15 : i32
    %rev3A_112 = vector.broadcast %rev3A_111 : i32 to vector<16xi32>
    %rev3A_113 = tpu.iota {dimensions = array<i32: 0>} : vector<16xi32>
    %rev3A_114 = arith.subi %rev3A_112, %rev3A_113 : vector<16xi32>
    %rev3A_115 = tpu.dynamic_gather %sort3A_65[%rev3A_114] in [0] : vector<16xf32>, vector<16xi32> -> vector<16xf32>
    %max3A_116 = arith.maximumf %sort3A_39, %rev3A_115 : vector<16xf32>
    %rev3A_117 = arith.constant 15 : i32
    %rev3A_118 = vector.broadcast %rev3A_117 : i32 to vector<16xi32>
    %rev3A_119 = tpu.iota {dimensions = array<i32: 0>} : vector<16xi32>
    %rev3A_120 = arith.subi %rev3A_118, %rev3A_119 : vector<16xi32>
    %rev3A_121 = tpu.dynamic_gather %sort3A_61[%rev3A_120] in [0] : vector<16xf32>, vector<16xi32> -> vector<16xf32>
    %max3A_122 = arith.maximumf %sort3A_43, %rev3A_121 : vector<16xf32>
    %min3A_123 = arith.minimumf %max3A_116, %max3A_122 : vector<16xf32>
    %max3A_124 = arith.maximumf %max3A_116, %max3A_122 : vector<16xf32>
    %sort3A_125 = arith.constant dense<true> : vector<16xi1>
    %sort3A_126, %sort3A_127, %sort3A_128 = tpu.sort %min3A_123, %min3A_123 masked %sort3A_125 : (vector<16xf32>, vector<16xf32>, vector<16xi1>) -> (vector<16xi1>, vector<16xf32>, vector<16xf32>)
    %sort3A_129 = arith.constant dense<true> : vector<16xi1>
    %sort3A_130, %sort3A_131, %sort3A_132 = tpu.sort %max3A_124, %max3A_124 masked %sort3A_129 : (vector<16xf32>, vector<16xf32>, vector<16xi1>) -> (vector<16xi1>, vector<16xf32>, vector<16xf32>)
    %rev3A_133 = arith.constant 15 : i32
    %rev3A_134 = vector.broadcast %rev3A_133 : i32 to vector<16xi32>
    %rev3A_135 = tpu.iota {dimensions = array<i32: 0>} : vector<16xi32>
    %rev3A_136 = arith.subi %rev3A_134, %rev3A_135 : vector<16xi32>
    %rev3A_137 = tpu.dynamic_gather %sort3A_109[%rev3A_136] in [0] : vector<16xf32>, vector<16xi32> -> vector<16xf32>
    %max3A_138 = arith.maximumf %sort3A_83, %rev3A_137 : vector<16xf32>
    %rev3A_139 = arith.constant 15 : i32
    %rev3A_140 = vector.broadcast %rev3A_139 : i32 to vector<16xi32>
    %rev3A_141 = tpu.iota {dimensions = array<i32: 0>} : vector<16xi32>
    %rev3A_142 = arith.subi %rev3A_140, %rev3A_141 : vector<16xi32>
    %rev3A_143 = tpu.dynamic_gather %sort3A_105[%rev3A_142] in [0] : vector<16xf32>, vector<16xi32> -> vector<16xf32>
    %max3A_144 = arith.maximumf %sort3A_87, %rev3A_143 : vector<16xf32>
    %min3A_145 = arith.minimumf %max3A_138, %max3A_144 : vector<16xf32>
    %max3A_146 = arith.maximumf %max3A_138, %max3A_144 : vector<16xf32>
    %sort3A_147 = arith.constant dense<true> : vector<16xi1>
    %sort3A_148, %sort3A_149, %sort3A_150 = tpu.sort %min3A_145, %min3A_145 masked %sort3A_147 : (vector<16xf32>, vector<16xf32>, vector<16xi1>) -> (vector<16xi1>, vector<16xf32>, vector<16xf32>)
    %sort3A_151 = arith.constant dense<true> : vector<16xi1>
    %sort3A_152, %sort3A_153, %sort3A_154 = tpu.sort %max3A_146, %max3A_146 masked %sort3A_151 : (vector<16xf32>, vector<16xf32>, vector<16xi1>) -> (vector<16xi1>, vector<16xf32>, vector<16xf32>)
    %rev3A_155 = arith.constant 15 : i32
    %rev3A_156 = vector.broadcast %rev3A_155 : i32 to vector<16xi32>
    %rev3A_157 = tpu.iota {dimensions = array<i32: 0>} : vector<16xi32>
    %rev3A_158 = arith.subi %rev3A_156, %rev3A_157 : vector<16xi32>
    %rev3A_159 = tpu.dynamic_gather %sort3A_153[%rev3A_158] in [0] : vector<16xf32>, vector<16xi32> -> vector<16xf32>
    %max3A_160 = arith.maximumf %sort3A_127, %rev3A_159 : vector<16xf32>
    %rev3A_161 = arith.constant 15 : i32
    %rev3A_162 = vector.broadcast %rev3A_161 : i32 to vector<16xi32>
    %rev3A_163 = tpu.iota {dimensions = array<i32: 0>} : vector<16xi32>
    %rev3A_164 = arith.subi %rev3A_162, %rev3A_163 : vector<16xi32>
    %rev3A_165 = tpu.dynamic_gather %sort3A_149[%rev3A_164] in [0] : vector<16xf32>, vector<16xi32> -> vector<16xf32>
    %max3A_166 = arith.maximumf %sort3A_131, %rev3A_165 : vector<16xf32>
    %min3A_167 = arith.minimumf %max3A_160, %max3A_166 : vector<16xf32>
    %max3A_168 = arith.maximumf %max3A_160, %max3A_166 : vector<16xf32>
    %reduce_min3A = arith.constant true
    %reduce_min3A_169 = vector.broadcast %reduce_min3A : i1 to vector<16xi1>
    %reduce_min3A_170 = tpu.scan <min>, %min3A_167 masked %reduce_min3A_169 : vector<16xf32>, vector<16xi1> -> vector<16xf32>
    %reduce_min3A_171 = vector.extract %reduce_min3A_170[15] : f32 from vector<16xf32>
    %broadcast_in_dim3A_172 = vector.broadcast %reduce_min3A_171 : f32 to vector<16xf32>
    %add3A_173 = arith.constant 1.000000e-07 : f32
    %add3A_174 = vector.broadcast %add3A_173 : f32 to vector<16xf32>
    %add3A_175 = arith.addf %broadcast_in_dim3A_172, %add3A_174 : vector<16xf32>
    %sub3A = arith.subf %min3A_167, %add3A_175 : vector<16xf32>
    %max3A_176 = arith.constant 0.000000e+00 : f32
    %max3A_177 = vector.broadcast %max3A_176 : f32 to vector<16xf32>
    %max3A_178 = arith.maximumf %sub3A, %max3A_177 : vector<16xf32>
    %sub3A_179 = arith.subf %max3A_168, %add3A_175 : vector<16xf32>
    %max3A_180 = arith.constant 0.000000e+00 : f32
    %max3A_181 = vector.broadcast %max3A_180 : f32 to vector<16xf32>
    %max3A_182 = arith.maximumf %sub3A_179, %max3A_181 : vector<16xf32>
    %add3A_183 = arith.addf %max3A_178, %max3A_182 : vector<16xf32>
    %reduce_sum3A = arith.constant true
    %reduce_sum3A_184 = vector.broadcast %reduce_sum3A : i1 to vector<16xi1>
    %reduce_sum3A_185 = tpu.scan <sum>, %add3A_183 masked %reduce_sum3A_184 : vector<16xf32>, vector<16xi1> -> vector<16xf32>
    %reduce_sum3A_186 = vector.extract %reduce_sum3A_185[15] : f32 from vector<16xf32>
    %broadcast_in_dim3A_187 = vector.broadcast %reduce_sum3A_186 : f32 to vector<16xf32>
    %add3A_188 = arith.constant 1.000000e-07 : f32
    %add3A_189 = vector.broadcast %add3A_188 : f32 to vector<16xf32>
    %add3A_190 = arith.addf %broadcast_in_dim3A_187, %add3A_189 : vector<16xf32>
    %broadcast_in_dim3A_191 = arith.constant 1.000000e+00 : f32
    %broadcast_in_dim3A_192 = vector.broadcast %broadcast_in_dim3A_191 : f32 to vector<16xf32>
    %div3A = arith.divf %broadcast_in_dim3A_192, %add3A_190 : vector<16xf32>
    %dma_wait3A_193 = arith.constant 0 : i32
    %dma_wait3A_194 = tpu.memref_slice %arg2[%add3A_9, %dma_wait3A_193] : memref<64x8192xf32, #tpu.memory_space<hbm>> -> memref<1x8192xf32, #tpu.memory_space<hbm>>
    %dma_wait3A_195 = tpu.memref_squeeze %dma_wait3A_194 : memref<1x8192xf32, #tpu.memory_space<hbm>> -> memref<8192xf32, #tpu.memory_space<hbm>>
    %dma_wait3A_196 = arith.constant 0 : i32
    %dma_wait3A_197 = tpu.memref_slice %arg2[%add3A_9, %dma_wait3A_196] : memref<64x8192xf32, #tpu.memory_space<hbm>> -> memref<1x8192xf32, #tpu.memory_space<hbm>>
    %dma_wait3A_198 = tpu.memref_squeeze %dma_wait3A_197 : memref<1x8192xf32, #tpu.memory_space<hbm>> -> memref<8192xf32, #tpu.memory_space<hbm>>
    tpu.wait_dma2 semaphore(%arg9 : memref<!tpu.dma_semaphore, #tpu.memory_space<semaphore_mem>>) src(%dma_wait3A_198 : memref<8192xf32, #tpu.memory_space<hbm>>) dst(%arg5 : memref<8192xf32, #tpu.memory_space<vmem>>)
    %scan3A_199 = arith.constant 0 : i32
    %scan3A_200 = arith.constant 64 : i32
    %scan3A_201 = arith.addi %scan3A_199, %scan3A_200 : i32
    %scan3A_202 = arith.constant 1 : i32
    %scan3A_203:16 = scf.for %scan3A_411 = %scan3A_199 to %scan3A_201 step %scan3A_202 iter_args(%scan3A_412 = %broadcast_in_dim3A_16, %scan3A_413 = %broadcast_in_dim3A_16, %scan3A_414 = %broadcast_in_dim3A_16, %scan3A_415 = %broadcast_in_dim3A_16, %scan3A_416 = %broadcast_in_dim3A_16, %scan3A_417 = %broadcast_in_dim3A_16, %scan3A_418 = %broadcast_in_dim3A_16, %scan3A_419 = %broadcast_in_dim3A_16, %scan3A_420 = %broadcast_in_dim3A_16, %scan3A_421 = %broadcast_in_dim3A_16, %scan3A_422 = %broadcast_in_dim3A_16, %scan3A_423 = %broadcast_in_dim3A_16, %scan3A_424 = %broadcast_in_dim3A_16, %scan3A_425 = %broadcast_in_dim3A_16, %scan3A_426 = %broadcast_in_dim3A_16, %scan3A_427 = %broadcast_in_dim3A_16) -> (vector<16xf32>, vector<16xf32>, vector<16xf32>, vector<16xf32>, vector<16xf32>, vector<16xf32>, vector<16xf32>, vector<16xf32>, vector<16xf32>, vector<16xf32>, vector<16xf32>, vector<16xf32>, vector<16xf32>, vector<16xf32>, vector<16xf32>, vector<16xf32>)  : i32 {
      %add3A_428 = arith.constant 0 : i32
      %add3A_429 = arith.addi %add3A_428, %scan3A_411 : i32
      %mul3A_430 = arith.constant 16 : i32
      %mul3A_431 = arith.muli %add3A_429, %mul3A_430 : i32
      %get3A = arith.index_cast %mul3A_431 : i32 to index
      %get3A_432 = tpu.vector_load %arg5[%get3A] {strides = array<i32>} : memref<8192xf32, #tpu.memory_space<vmem>>, vector<16xf32>,
      %sort3A_433 = arith.constant dense<true> : vector<16xi1>
      %sort3A_434, %sort3A_435, %sort3A_436 = tpu.sort %get3A_432, %get3A_432 masked %sort3A_433 : (vector<16xf32>, vector<16xf32>, vector<16xi1>) -> (vector<16xi1>, vector<16xf32>, vector<16xf32>)
      %rev3A_437 = arith.constant 15 : i32
      %rev3A_438 = vector.broadcast %rev3A_437 : i32 to vector<16xi32>
      %rev3A_439 = tpu.iota {dimensions = array<i32: 0>} : vector<16xi32>
      %rev3A_440 = arith.subi %rev3A_438, %rev3A_439 : vector<16xi32>
      %rev3A_441 = tpu.dynamic_gather %sort3A_435[%rev3A_440] in [0] : vector<16xf32>, vector<16xi32> -> vector<16xf32>
      %max3A_442 = arith.maximumf %scan3A_412, %rev3A_441 : vector<16xf32>
      %min3A_443 = arith.minimumf %max3A_442, %scan3A_413 : vector<16xf32>
      %max3A_444 = arith.maximumf %max3A_442, %scan3A_413 : vector<16xf32>
      %sort3A_445 = arith.constant dense<true> : vector<16xi1>
      %sort3A_446, %sort3A_447, %sort3A_448 = tpu.sort %min3A_443, %min3A_443 masked %sort3A_445 : (vector<16xf32>, vector<16xf32>, vector<16xi1>) -> (vector<16xi1>, vector<16xf32>, vector<16xf32>)
      %sort3A_449 = arith.constant dense<true> : vector<16xi1>
      %sort3A_450, %sort3A_451, %sort3A_452 = tpu.sort %max3A_444, %max3A_444 masked %sort3A_449 : (vector<16xf32>, vector<16xf32>, vector<16xi1>) -> (vector<16xi1>, vector<16xf32>, vector<16xf32>)
      %add3A_453 = arith.constant 64 : i32
      %add3A_454 = arith.addi %add3A_453, %scan3A_411 : i32
      %mul3A_455 = arith.constant 16 : i32
      %mul3A_456 = arith.muli %add3A_454, %mul3A_455 : i32
      %get3A_457 = arith.index_cast %mul3A_456 : i32 to index
      %get3A_458 = tpu.vector_load %arg5[%get3A_457] {strides = array<i32>} : memref<8192xf32, #tpu.memory_space<vmem>>, vector<16xf32>,
      %sort3A_459 = arith.constant dense<true> : vector<16xi1>
      %sort3A_460, %sort3A_461, %sort3A_462 = tpu.sort %get3A_458, %get3A_458 masked %sort3A_459 : (vector<16xf32>, vector<16xf32>, vector<16xi1>) -> (vector<16xi1>, vector<16xf32>, vector<16xf32>)
      %rev3A_463 = arith.constant 15 : i32
      %rev3A_464 = vector.broadcast %rev3A_463 : i32 to vector<16xi32>
      %rev3A_465 = tpu.iota {dimensions = array<i32: 0>} : vector<16xi32>
      %rev3A_466 = arith.subi %rev3A_464, %rev3A_465 : vector<16xi32>
      %rev3A_467 = tpu.dynamic_gather %sort3A_461[%rev3A_466] in [0] : vector<16xf32>, vector<16xi32> -> vector<16xf32>
      %max3A_468 = arith.maximumf %scan3A_414, %rev3A_467 : vector<16xf32>
      %min3A_469 = arith.minimumf %max3A_468, %scan3A_415 : vector<16xf32>
      %max3A_470 = arith.maximumf %max3A_468, %scan3A_415 : vector<16xf32>
      %sort3A_471 = arith.constant dense<true> : vector<16xi1>
      %sort3A_472, %sort3A_473, %sort3A_474 = tpu.sort %min3A_469, %min3A_469 masked %sort3A_471 : (vector<16xf32>, vector<16xf32>, vector<16xi1>) -> (vector<16xi1>, vector<16xf32>, vector<16xf32>)
      %sort3A_475 = arith.constant dense<true> : vector<16xi1>
      %sort3A_476, %sort3A_477, %sort3A_478 = tpu.sort %max3A_470, %max3A_470 masked %sort3A_475 : (vector<16xf32>, vector<16xf32>, vector<16xi1>) -> (vector<16xi1>, vector<16xf32>, vector<16xf32>)
      %add3A_479 = arith.constant 128 : i32
      %add3A_480 = arith.addi %add3A_479, %scan3A_411 : i32
      %mul3A_481 = arith.constant 16 : i32
      %mul3A_482 = arith.muli %add3A_480, %mul3A_481 : i32
      %get3A_483 = arith.index_cast %mul3A_482 : i32 to index
      %get3A_484 = tpu.vector_load %arg5[%get3A_483] {strides = array<i32>} : memref<8192xf32, #tpu.memory_space<vmem>>, vector<16xf32>,
      %sort3A_485 = arith.constant dense<true> : vector<16xi1>
      %sort3A_486, %sort3A_487, %sort3A_488 = tpu.sort %get3A_484, %get3A_484 masked %sort3A_485 : (vector<16xf32>, vector<16xf32>, vector<16xi1>) -> (vector<16xi1>, vector<16xf32>, vector<16xf32>)
      %rev3A_489 = arith.constant 15 : i32
      %rev3A_490 = vector.broadcast %rev3A_489 : i32 to vector<16xi32>
      %rev3A_491 = tpu.iota {dimensions = array<i32: 0>} : vector<16xi32>
      %rev3A_492 = arith.subi %rev3A_490, %rev3A_491 : vector<16xi32>
      %rev3A_493 = tpu.dynamic_gather %sort3A_487[%rev3A_492] in [0] : vector<16xf32>, vector<16xi32> -> vector<16xf32>
      %max3A_494 = arith.maximumf %scan3A_416, %rev3A_493 : vector<16xf32>
      %min3A_495 = arith.minimumf %max3A_494, %scan3A_417 : vector<16xf32>
      %max3A_496 = arith.maximumf %max3A_494, %scan3A_417 : vector<16xf32>
      %sort3A_497 = arith.constant dense<true> : vector<16xi1>
      %sort3A_498, %sort3A_499, %sort3A_500 = tpu.sort %min3A_495, %min3A_495 masked %sort3A_497 : (vector<16xf32>, vector<16xf32>, vector<16xi1>) -> (vector<16xi1>, vector<16xf32>, vector<16xf32>)
      %sort3A_501 = arith.constant dense<true> : vector<16xi1>
      %sort3A_502, %sort3A_503, %sort3A_504 = tpu.sort %max3A_496, %max3A_496 masked %sort3A_501 : (vector<16xf32>, vector<16xf32>, vector<16xi1>) -> (vector<16xi1>, vector<16xf32>, vector<16xf32>)
      %add3A_505 = arith.constant 192 : i32
      %add3A_506 = arith.addi %add3A_505, %scan3A_411 : i32
      %mul3A_507 = arith.constant 16 : i32
      %mul3A_508 = arith.muli %add3A_506, %mul3A_507 : i32
      %get3A_509 = arith.index_cast %mul3A_508 : i32 to index
      %get3A_510 = tpu.vector_load %arg5[%get3A_509] {strides = array<i32>} : memref<8192xf32, #tpu.memory_space<vmem>>, vector<16xf32>,
      %sort3A_511 = arith.constant dense<true> : vector<16xi1>
      %sort3A_512, %sort3A_513, %sort3A_514 = tpu.sort %get3A_510, %get3A_510 masked %sort3A_511 : (vector<16xf32>, vector<16xf32>, vector<16xi1>) -> (vector<16xi1>, vector<16xf32>, vector<16xf32>)
      %rev3A_515 = arith.constant 15 : i32
      %rev3A_516 = vector.broadcast %rev3A_515 : i32 to vector<16xi32>
      %rev3A_517 = tpu.iota {dimensions = array<i32: 0>} : vector<16xi32>
      %rev3A_518 = arith.subi %rev3A_516, %rev3A_517 : vector<16xi32>
      %rev3A_519 = tpu.dynamic_gather %sort3A_513[%rev3A_518] in [0] : vector<16xf32>, vector<16xi32> -> vector<16xf32>
      %max3A_520 = arith.maximumf %scan3A_418, %rev3A_519 : vector<16xf32>
      %min3A_521 = arith.minimumf %max3A_520, %scan3A_419 : vector<16xf32>
      %max3A_522 = arith.maximumf %max3A_520, %scan3A_419 : vector<16xf32>
      %sort3A_523 = arith.constant dense<true> : vector<16xi1>
      %sort3A_524, %sort3A_525, %sort3A_526 = tpu.sort %min3A_521, %min3A_521 masked %sort3A_523 : (vector<16xf32>, vector<16xf32>, vector<16xi1>) -> (vector<16xi1>, vector<16xf32>, vector<16xf32>)
      %sort3A_527 = arith.constant dense<true> : vector<16xi1>
      %sort3A_528, %sort3A_529, %sort3A_530 = tpu.sort %max3A_522, %max3A_522 masked %sort3A_527 : (vector<16xf32>, vector<16xf32>, vector<16xi1>) -> (vector<16xi1>, vector<16xf32>, vector<16xf32>)
      %add3A_531 = arith.constant 256 : i32
      %add3A_532 = arith.addi %add3A_531, %scan3A_411 : i32
      %mul3A_533 = arith.constant 16 : i32
      %mul3A_534 = arith.muli %add3A_532, %mul3A_533 : i32
      %get3A_535 = arith.index_cast %mul3A_534 : i32 to index
      %get3A_536 = tpu.vector_load %arg5[%get3A_535] {strides = array<i32>} : memref<8192xf32, #tpu.memory_space<vmem>>, vector<16xf32>,
      %sort3A_537 = arith.constant dense<true> : vector<16xi1>
      %sort3A_538, %sort3A_539, %sort3A_540 = tpu.sort %get3A_536, %get3A_536 masked %sort3A_537 : (vector<16xf32>, vector<16xf32>, vector<16xi1>) -> (vector<16xi1>, vector<16xf32>, vector<16xf32>)
      %rev3A_541 = arith.constant 15 : i32
      %rev3A_542 = vector.broadcast %rev3A_541 : i32 to vector<16xi32>
      %rev3A_543 = tpu.iota {dimensions = array<i32: 0>} : vector<16xi32>
      %rev3A_544 = arith.subi %rev3A_542, %rev3A_543 : vector<16xi32>
      %rev3A_545 = tpu.dynamic_gather %sort3A_539[%rev3A_544] in [0] : vector<16xf32>, vector<16xi32> -> vector<16xf32>
      %max3A_546 = arith.maximumf %scan3A_420, %rev3A_545 : vector<16xf32>
      %min3A_547 = arith.minimumf %max3A_546, %scan3A_421 : vector<16xf32>
      %max3A_548 = arith.maximumf %max3A_546, %scan3A_421 : vector<16xf32>
      %sort3A_549 = arith.constant dense<true> : vector<16xi1>
      %sort3A_550, %sort3A_551, %sort3A_552 = tpu.sort %min3A_547, %min3A_547 masked %sort3A_549 : (vector<16xf32>, vector<16xf32>, vector<16xi1>) -> (vector<16xi1>, vector<16xf32>, vector<16xf32>)
      %sort3A_553 = arith.constant dense<true> : vector<16xi1>
      %sort3A_554, %sort3A_555, %sort3A_556 = tpu.sort %max3A_548, %max3A_548 masked %sort3A_553 : (vector<16xf32>, vector<16xf32>, vector<16xi1>) -> (vector<16xi1>, vector<16xf32>, vector<16xf32>)
      %add3A_557 = arith.constant 320 : i32
      %add3A_558 = arith.addi %add3A_557, %scan3A_411 : i32
      %mul3A_559 = arith.constant 16 : i32
      %mul3A_560 = arith.muli %add3A_558, %mul3A_559 : i32
      %get3A_561 = arith.index_cast %mul3A_560 : i32 to index
      %get3A_562 = tpu.vector_load %arg5[%get3A_561] {strides = array<i32>} : memref<8192xf32, #tpu.memory_space<vmem>>, vector<16xf32>,
      %sort3A_563 = arith.constant dense<true> : vector<16xi1>
      %sort3A_564, %sort3A_565, %sort3A_566 = tpu.sort %get3A_562, %get3A_562 masked %sort3A_563 : (vector<16xf32>, vector<16xf32>, vector<16xi1>) -> (vector<16xi1>, vector<16xf32>, vector<16xf32>)
      %rev3A_567 = arith.constant 15 : i32
      %rev3A_568 = vector.broadcast %rev3A_567 : i32 to vector<16xi32>
      %rev3A_569 = tpu.iota {dimensions = array<i32: 0>} : vector<16xi32>
      %rev3A_570 = arith.subi %rev3A_568, %rev3A_569 : vector<16xi32>
      %rev3A_571 = tpu.dynamic_gather %sort3A_565[%rev3A_570] in [0] : vector<16xf32>, vector<16xi32> -> vector<16xf32>
      %max3A_572 = arith.maximumf %scan3A_422, %rev3A_571 : vector<16xf32>
      %min3A_573 = arith.minimumf %max3A_572, %scan3A_423 : vector<16xf32>
      %max3A_574 = arith.maximumf %max3A_572, %scan3A_423 : vector<16xf32>
      %sort3A_575 = arith.constant dense<true> : vector<16xi1>
      %sort3A_576, %sort3A_577, %sort3A_578 = tpu.sort %min3A_573, %min3A_573 masked %sort3A_575 : (vector<16xf32>, vector<16xf32>, vector<16xi1>) -> (vector<16xi1>, vector<16xf32>, vector<16xf32>)
      %sort3A_579 = arith.constant dense<true> : vector<16xi1>
      %sort3A_580, %sort3A_581, %sort3A_582 = tpu.sort %max3A_574, %max3A_574 masked %sort3A_579 : (vector<16xf32>, vector<16xf32>, vector<16xi1>) -> (vector<16xi1>, vector<16xf32>, vector<16xf32>)
      %add3A_583 = arith.constant 384 : i32
      %add3A_584 = arith.addi %add3A_583, %scan3A_411 : i32
      %mul3A_585 = arith.constant 16 : i32
      %mul3A_586 = arith.muli %add3A_584, %mul3A_585 : i32
      %get3A_587 = arith.index_cast %mul3A_586 : i32 to index
      %get3A_588 = tpu.vector_load %arg5[%get3A_587] {strides = array<i32>} : memref<8192xf32, #tpu.memory_space<vmem>>, vector<16xf32>,
      %sort3A_589 = arith.constant dense<true> : vector<16xi1>
      %sort3A_590, %sort3A_591, %sort3A_592 = tpu.sort %get3A_588, %get3A_588 masked %sort3A_589 : (vector<16xf32>, vector<16xf32>, vector<16xi1>) -> (vector<16xi1>, vector<16xf32>, vector<16xf32>)
      %rev3A_593 = arith.constant 15 : i32
      %rev3A_594 = vector.broadcast %rev3A_593 : i32 to vector<16xi32>
      %rev3A_595 = tpu.iota {dimensions = array<i32: 0>} : vector<16xi32>
      %rev3A_596 = arith.subi %rev3A_594, %rev3A_595 : vector<16xi32>
      %rev3A_597 = tpu.dynamic_gather %sort3A_591[%rev3A_596] in [0] : vector<16xf32>, vector<16xi32> -> vector<16xf32>
      %max3A_598 = arith.maximumf %scan3A_424, %rev3A_597 : vector<16xf32>
      %min3A_599 = arith.minimumf %max3A_598, %scan3A_425 : vector<16xf32>
      %max3A_600 = arith.maximumf %max3A_598, %scan3A_425 : vector<16xf32>
      %sort3A_601 = arith.constant dense<true> : vector<16xi1>
      %sort3A_602, %sort3A_603, %sort3A_604 = tpu.sort %min3A_599, %min3A_599 masked %sort3A_601 : (vector<16xf32>, vector<16xf32>, vector<16xi1>) -> (vector<16xi1>, vector<16xf32>, vector<16xf32>)
      %sort3A_605 = arith.constant dense<true> : vector<16xi1>
      %sort3A_606, %sort3A_607, %sort3A_608 = tpu.sort %max3A_600, %max3A_600 masked %sort3A_605 : (vector<16xf32>, vector<16xf32>, vector<16xi1>) -> (vector<16xi1>, vector<16xf32>, vector<16xf32>)
      %add3A_609 = arith.constant 448 : i32
      %add3A_610 = arith.addi %add3A_609, %scan3A_411 : i32
      %mul3A_611 = arith.constant 16 : i32
      %mul3A_612 = arith.muli %add3A_610, %mul3A_611 : i32
      %get3A_613 = arith.index_cast %mul3A_612 : i32 to index
      %get3A_614 = tpu.vector_load %arg5[%get3A_613] {strides = array<i32>} : memref<8192xf32, #tpu.memory_space<vmem>>, vector<16xf32>,
      %sort3A_615 = arith.constant dense<true> : vector<16xi1>
      %sort3A_616, %sort3A_617, %sort3A_618 = tpu.sort %get3A_614, %get3A_614 masked %sort3A_615 : (vector<16xf32>, vector<16xf32>, vector<16xi1>) -> (vector<16xi1>, vector<16xf32>, vector<16xf32>)
      %rev3A_619 = arith.constant 15 : i32
      %rev3A_620 = vector.broadcast %rev3A_619 : i32 to vector<16xi32>
      %rev3A_621 = tpu.iota {dimensions = array<i32: 0>} : vector<16xi32>
      %rev3A_622 = arith.subi %rev3A_620, %rev3A_621 : vector<16xi32>
      %rev3A_623 = tpu.dynamic_gather %sort3A_617[%rev3A_622] in [0] : vector<16xf32>, vector<16xi32> -> vector<16xf32>
      %max3A_624 = arith.maximumf %scan3A_426, %rev3A_623 : vector<16xf32>
      %min3A_625 = arith.minimumf %max3A_624, %scan3A_427 : vector<16xf32>
      %max3A_626 = arith.maximumf %max3A_624, %scan3A_427 : vector<16xf32>
      %sort3A_627 = arith.constant dense<true> : vector<16xi1>
      %sort3A_628, %sort3A_629, %sort3A_630 = tpu.sort %min3A_625, %min3A_625 masked %sort3A_627 : (vector<16xf32>, vector<16xf32>, vector<16xi1>) -> (vector<16xi1>, vector<16xf32>, vector<16xf32>)
      %sort3A_631 = arith.constant dense<true> : vector<16xi1>
      %sort3A_632, %sort3A_633, %sort3A_634 = tpu.sort %max3A_626, %max3A_626 masked %sort3A_631 : (vector<16xf32>, vector<16xf32>, vector<16xi1>) -> (vector<16xi1>, vector<16xf32>, vector<16xf32>)
      %mul3A_635 = arith.constant 2 : i32
      %mul3A_636 = arith.muli %scan3A_411, %mul3A_635 : i32
      %add3A_637 = arith.constant 0 : i32
      %add3A_638 = arith.addi %mul3A_636, %add3A_637 : i32
      %mul3A_639 = arith.constant 4 : i32
      %mul3A_640 = arith.muli %add3A_638, %mul3A_639 : i32
      %add3A_641 = arith.constant 0 : i32
      %add3A_642 = arith.addi %mul3A_640, %add3A_641 : i32
      %mul3A_643 = arith.constant 16 : i32
      %mul3A_644 = arith.muli %add3A_642, %mul3A_643 : i32
      %get3A_645 = arith.index_cast %mul3A_644 : i32 to index
      %get3A_646 = tpu.vector_load %arg4[%get3A_645] {strides = array<i32>} : memref<8192xf32, #tpu.memory_space<vmem>>, vector<16xf32>,
      %sub3A_647 = arith.subf %get3A_646, %add3A_175 : vector<16xf32>
      %max3A_648 = arith.constant 0.000000e+00 : f32
      %max3A_649 = vector.broadcast %max3A_648 : f32 to vector<16xf32>
      %max3A_650 = arith.maximumf %sub3A_647, %max3A_649 : vector<16xf32>
      %mul3A_651 = arith.mulf %max3A_650, %div3A : vector<16xf32>
      %swap3A = arith.index_cast %mul3A_644 : i32 to index
      %swap3A_652 = tpu.vector_load %arg6[%swap3A] {strides = array<i32>} : memref<8192xf32, #tpu.memory_space<vmem>>, vector<16xf32>,
      tpu.vector_store %arg6[%swap3A], %mul3A_651 {strides = array<i32>} : memref<8192xf32, #tpu.memory_space<vmem>>, vector<16xf32>,
      %mul3A_653 = arith.constant 4 : i32
      %mul3A_654 = arith.muli %add3A_638, %mul3A_653 : i32
      %add3A_655 = arith.constant 1 : i32
      %add3A_656 = arith.addi %mul3A_654, %add3A_655 : i32
      %mul3A_657 = arith.constant 16 : i32
      %mul3A_658 = arith.muli %add3A_656, %mul3A_657 : i32
      %get3A_659 = arith.index_cast %mul3A_658 : i32 to index
      %get3A_660 = tpu.vector_load %arg4[%get3A_659] {strides = array<i32>} : memref<8192xf32, #tpu.memory_space<vmem>>, vector<16xf32>,
      %sub3A_661 = arith.subf %get3A_660, %add3A_175 : vector<16xf32>
      %max3A_662 = arith.constant 0.000000e+00 : f32
      %max3A_663 = vector.broadcast %max3A_662 : f32 to vector<16xf32>
      %max3A_664 = arith.maximumf %sub3A_661, %max3A_663 : vector<16xf32>
      %mul3A_665 = arith.mulf %max3A_664, %div3A : vector<16xf32>
      %swap3A_666 = arith.index_cast %mul3A_658 : i32 to index
      %swap3A_667 = tpu.vector_load %arg6[%swap3A_666] {strides = array<i32>} : memref<8192xf32, #tpu.memory_space<vmem>>, vector<16xf32>,
      tpu.vector_store %arg6[%swap3A_666], %mul3A_665 {strides = array<i32>} : memref<8192xf32, #tpu.memory_space<vmem>>, vector<16xf32>,
      %mul3A_668 = arith.constant 4 : i32
      %mul3A_669 = arith.muli %add3A_638, %mul3A_668 : i32
      %add3A_670 = arith.constant 2 : i32
      %add3A_671 = arith.addi %mul3A_669, %add3A_670 : i32
      %mul3A_672 = arith.constant 16 : i32
      %mul3A_673 = arith.muli %add3A_671, %mul3A_672 : i32
      %get3A_674 = arith.index_cast %mul3A_673 : i32 to index
      %get3A_675 = tpu.vector_load %arg4[%get3A_674] {strides = array<i32>} : memref<8192xf32, #tpu.memory_space<vmem>>, vector<16xf32>,
      %sub3A_676 = arith.subf %get3A_675, %add3A_175 : vector<16xf32>
      %max3A_677 = arith.constant 0.000000e+00 : f32
      %max3A_678 = vector.broadcast %max3A_677 : f32 to vector<16xf32>
      %max3A_679 = arith.maximumf %sub3A_676, %max3A_678 : vector<16xf32>
      %mul3A_680 = arith.mulf %max3A_679, %div3A : vector<16xf32>
      %swap3A_681 = arith.index_cast %mul3A_673 : i32 to index
      %swap3A_682 = tpu.vector_load %arg6[%swap3A_681] {strides = array<i32>} : memref<8192xf32, #tpu.memory_space<vmem>>, vector<16xf32>,
      tpu.vector_store %arg6[%swap3A_681], %mul3A_680 {strides = array<i32>} : memref<8192xf32, #tpu.memory_space<vmem>>, vector<16xf32>,
      %mul3A_683 = arith.constant 4 : i32
      %mul3A_684 = arith.muli %add3A_638, %mul3A_683 : i32
      %add3A_685 = arith.constant 3 : i32
      %add3A_686 = arith.addi %mul3A_684, %add3A_685 : i32
      %mul3A_687 = arith.constant 16 : i32
      %mul3A_688 = arith.muli %add3A_686, %mul3A_687 : i32
      %get3A_689 = arith.index_cast %mul3A_688 : i32 to index
      %get3A_690 = tpu.vector_load %arg4[%get3A_689] {strides = array<i32>} : memref<8192xf32, #tpu.memory_space<vmem>>, vector<16xf32>,
      %sub3A_691 = arith.subf %get3A_690, %add3A_175 : vector<16xf32>
      %max3A_692 = arith.constant 0.000000e+00 : f32
      %max3A_693 = vector.broadcast %max3A_692 : f32 to vector<16xf32>
      %max3A_694 = arith.maximumf %sub3A_691, %max3A_693 : vector<16xf32>
      %mul3A_695 = arith.mulf %max3A_694, %div3A : vector<16xf32>
      %swap3A_696 = arith.index_cast %mul3A_688 : i32 to index
      %swap3A_697 = tpu.vector_load %arg6[%swap3A_696] {strides = array<i32>} : memref<8192xf32, #tpu.memory_space<vmem>>, vector<16xf32>,
      tpu.vector_store %arg6[%swap3A_696], %mul3A_695 {strides = array<i32>} : memref<8192xf32, #tpu.memory_space<vmem>>, vector<16xf32>,
      %mul3A_698 = arith.constant 2 : i32
      %mul3A_699 = arith.muli %scan3A_411, %mul3A_698 : i32
      %add3A_700 = arith.constant 1 : i32
      %add3A_701 = arith.addi %mul3A_699, %add3A_700 : i32
      %mul3A_702 = arith.constant 4 : i32
      %mul3A_703 = arith.muli %add3A_701, %mul3A_702 : i32
      %add3A_704 = arith.constant 0 : i32
      %add3A_705 = arith.addi %mul3A_703, %add3A_704 : i32
      %mul3A_706 = arith.constant 16 : i32
      %mul3A_707 = arith.muli %add3A_705, %mul3A_706 : i32
      %get3A_708 = arith.index_cast %mul3A_707 : i32 to index
      %get3A_709 = tpu.vector_load %arg4[%get3A_708] {strides = array<i32>} : memref<8192xf32, #tpu.memory_space<vmem>>, vector<16xf32>,
      %sub3A_710 = arith.subf %get3A_709, %add3A_175 : vector<16xf32>
      %max3A_711 = arith.constant 0.000000e+00 : f32
      %max3A_712 = vector.broadcast %max3A_711 : f32 to vector<16xf32>
      %max3A_713 = arith.maximumf %sub3A_710, %max3A_712 : vector<16xf32>
      %mul3A_714 = arith.mulf %max3A_713, %div3A : vector<16xf32>
      %swap3A_715 = arith.index_cast %mul3A_707 : i32 to index
      %swap3A_716 = tpu.vector_load %arg6[%swap3A_715] {strides = array<i32>} : memref<8192xf32, #tpu.memory_space<vmem>>, vector<16xf32>,
      tpu.vector_store %arg6[%swap3A_715], %mul3A_714 {strides = array<i32>} : memref<8192xf32, #tpu.memory_space<vmem>>, vector<16xf32>,
      %mul3A_717 = arith.constant 4 : i32
      %mul3A_718 = arith.muli %add3A_701, %mul3A_717 : i32
      %add3A_719 = arith.constant 1 : i32
      %add3A_720 = arith.addi %mul3A_718, %add3A_719 : i32
      %mul3A_721 = arith.constant 16 : i32
      %mul3A_722 = arith.muli %add3A_720, %mul3A_721 : i32
      %get3A_723 = arith.index_cast %mul3A_722 : i32 to index
      %get3A_724 = tpu.vector_load %arg4[%get3A_723] {strides = array<i32>} : memref<8192xf32, #tpu.memory_space<vmem>>, vector<16xf32>,
      %sub3A_725 = arith.subf %get3A_724, %add3A_175 : vector<16xf32>
      %max3A_726 = arith.constant 0.000000e+00 : f32
      %max3A_727 = vector.broadcast %max3A_726 : f32 to vector<16xf32>
      %max3A_728 = arith.maximumf %sub3A_725, %max3A_727 : vector<16xf32>
      %mul3A_729 = arith.mulf %max3A_728, %div3A : vector<16xf32>
      %swap3A_730 = arith.index_cast %mul3A_722 : i32 to index
      %swap3A_731 = tpu.vector_load %arg6[%swap3A_730] {strides = array<i32>} : memref<8192xf32, #tpu.memory_space<vmem>>, vector<16xf32>,
      tpu.vector_store %arg6[%swap3A_730], %mul3A_729 {strides = array<i32>} : memref<8192xf32, #tpu.memory_space<vmem>>, vector<16xf32>,
      %mul3A_732 = arith.constant 4 : i32
      %mul3A_733 = arith.muli %add3A_701, %mul3A_732 : i32
      %add3A_734 = arith.constant 2 : i32
      %add3A_735 = arith.addi %mul3A_733, %add3A_734 : i32
      %mul3A_736 = arith.constant 16 : i32
      %mul3A_737 = arith.muli %add3A_735, %mul3A_736 : i32
      %get3A_738 = arith.index_cast %mul3A_737 : i32 to index
      %get3A_739 = tpu.vector_load %arg4[%get3A_738] {strides = array<i32>} : memref<8192xf32, #tpu.memory_space<vmem>>, vector<16xf32>,
      %sub3A_740 = arith.subf %get3A_739, %add3A_175 : vector<16xf32>
      %max3A_741 = arith.constant 0.000000e+00 : f32
      %max3A_742 = vector.broadcast %max3A_741 : f32 to vector<16xf32>
      %max3A_743 = arith.maximumf %sub3A_740, %max3A_742 : vector<16xf32>
      %mul3A_744 = arith.mulf %max3A_743, %div3A : vector<16xf32>
      %swap3A_745 = arith.index_cast %mul3A_737 : i32 to index
      %swap3A_746 = tpu.vector_load %arg6[%swap3A_745] {strides = array<i32>} : memref<8192xf32, #tpu.memory_space<vmem>>, vector<16xf32>,
      tpu.vector_store %arg6[%swap3A_745], %mul3A_744 {strides = array<i32>} : memref<8192xf32, #tpu.memory_space<vmem>>, vector<16xf32>,
      %mul3A_747 = arith.constant 4 : i32
      %mul3A_748 = arith.muli %add3A_701, %mul3A_747 : i32
      %add3A_749 = arith.constant 3 : i32
      %add3A_750 = arith.addi %mul3A_748, %add3A_749 : i32
      %mul3A_751 = arith.constant 16 : i32
      %mul3A_752 = arith.muli %add3A_750, %mul3A_751 : i32
      %get3A_753 = arith.index_cast %mul3A_752 : i32 to index
      %get3A_754 = tpu.vector_load %arg4[%get3A_753] {strides = array<i32>} : memref<8192xf32, #tpu.memory_space<vmem>>, vector<16xf32>,
      %sub3A_755 = arith.subf %get3A_754, %add3A_175 : vector<16xf32>
      %max3A_756 = arith.constant 0.000000e+00 : f32
      %max3A_757 = vector.broadcast %max3A_756 : f32 to vector<16xf32>
      %max3A_758 = arith.maximumf %sub3A_755, %max3A_757 : vector<16xf32>
      %mul3A_759 = arith.mulf %max3A_758, %div3A : vector<16xf32>
      %swap3A_760 = arith.index_cast %mul3A_752 : i32 to index
      %swap3A_761 = tpu.vector_load %arg6[%swap3A_760] {strides = array<i32>} : memref<8192xf32, #tpu.memory_space<vmem>>, vector<16xf32>,
      tpu.vector_store %arg6[%swap3A_760], %mul3A_759 {strides = array<i32>} : memref<8192xf32, #tpu.memory_space<vmem>>, vector<16xf32>,
      scf.yield %sort3A_447, %sort3A_451, %sort3A_473, %sort3A_477, %sort3A_499, %sort3A_503, %sort3A_525, %sort3A_529, %sort3A_551, %sort3A_555, %sort3A_577, %sort3A_581, %sort3A_603, %sort3A_607, %sort3A_629, %sort3A_633 : vector<16xf32>, vector<16xf32>, vector<16xf32>, vector<16xf32>, vector<16xf32>, vector<16xf32>, vector<16xf32>, vector<16xf32>, vector<16xf32>, vector<16xf32>, vector<16xf32>, vector<16xf32>, vector<16xf32>, vector<16xf32>, vector<16xf32>, vector<16xf32>
    }
    %scan3A_204 = arith.constant 64 : i32
    %dma_start3A_205 = arith.constant 0 : i32
    %dma_start3A_206 = tpu.memref_slice %arg3[%mul3A_2, %dma_start3A_205] : memref<64x8192xf32, #tpu.memory_space<hbm>> -> memref<1x8192xf32, #tpu.memory_space<hbm>>
    %dma_start3A_207 = tpu.memref_squeeze %dma_start3A_206 : memref<1x8192xf32, #tpu.memory_space<hbm>> -> memref<8192xf32, #tpu.memory_space<hbm>>
    %dma_start3A_208 = arith.constant 0 : i32
    %dma_start3A_209 = tpu.memref_slice %arg3[%mul3A_2, %dma_start3A_208] : memref<64x8192xf32, #tpu.memory_space<hbm>> -> memref<1x8192xf32, #tpu.memory_space<hbm>>
    %dma_start3A_210 = tpu.memref_squeeze %dma_start3A_209 : memref<1x8192xf32, #tpu.memory_space<hbm>> -> memref<8192xf32, #tpu.memory_space<hbm>>
    tpu.enqueue_dma source(%arg6 : memref<8192xf32, #tpu.memory_space<vmem>>) target(%dma_start3A_210 : memref<8192xf32, #tpu.memory_space<hbm>>) target_semaphore(%arg10 : memref<!tpu.dma_semaphore, #tpu.memory_space<semaphore_mem>>)
    %rev3A_211 = arith.constant 15 : i32
    %rev3A_212 = vector.broadcast %rev3A_211 : i32 to vector<16xi32>
    %rev3A_213 = tpu.iota {dimensions = array<i32: 0>} : vector<16xi32>
    %rev3A_214 = arith.subi %rev3A_212, %rev3A_213 : vector<16xi32>
    %rev3A_215 = tpu.dynamic_gather %scan3A_203#3[%rev3A_214] in [0] : vector<16xf32>, vector<16xi32> -> vector<16xf32>
    %max3A_216 = arith.maximumf %scan3A_203#0, %rev3A_215 : vector<16xf32>
    %rev3A_217 = arith.constant 15 : i32
    %rev3A_218 = vector.broadcast %rev3A_217 : i32 to vector<16xi32>
    %rev3A_219 = tpu.iota {dimensions = array<i32: 0>} : vector<16xi32>
    %rev3A_220 = arith.subi %rev3A_218, %rev3A_219 : vector<16xi32>
    %rev3A_221 = tpu.dynamic_gather %scan3A_203#2[%rev3A_220] in [0] : vector<16xf32>, vector<16xi32> -> vector<16xf32>
    %max3A_222 = arith.maximumf %scan3A_203#1, %rev3A_221 : vector<16xf32>
    %min3A_223 = arith.minimumf %max3A_216, %max3A_222 : vector<16xf32>
    %max3A_224 = arith.maximumf %max3A_216, %max3A_222 : vector<16xf32>
    %sort3A_225 = arith.constant dense<true> : vector<16xi1>
    %sort3A_226, %sort3A_227, %sort3A_228 = tpu.sort %min3A_223, %min3A_223 masked %sort3A_225 : (vector<16xf32>, vector<16xf32>, vector<16xi1>) -> (vector<16xi1>, vector<16xf32>, vector<16xf32>)
    %sort3A_229 = arith.constant dense<true> : vector<16xi1>
    %sort3A_230, %sort3A_231, %sort3A_232 = tpu.sort %max3A_224, %max3A_224 masked %sort3A_229 : (vector<16xf32>, vector<16xf32>, vector<16xi1>) -> (vector<16xi1>, vector<16xf32>, vector<16xf32>)
    %rev3A_233 = arith.constant 15 : i32
    %rev3A_234 = vector.broadcast %rev3A_233 : i32 to vector<16xi32>
    %rev3A_235 = tpu.iota {dimensions = array<i32: 0>} : vector<16xi32>
    %rev3A_236 = arith.subi %rev3A_234, %rev3A_235 : vector<16xi32>
    %rev3A_237 = tpu.dynamic_gather %scan3A_203#7[%rev3A_236] in [0] : vector<16xf32>, vector<16xi32> -> vector<16xf32>
    %max3A_238 = arith.maximumf %scan3A_203#4, %rev3A_237 : vector<16xf32>
    %rev3A_239 = arith.constant 15 : i32
    %rev3A_240 = vector.broadcast %rev3A_239 : i32 to vector<16xi32>
    %rev3A_241 = tpu.iota {dimensions = array<i32: 0>} : vector<16xi32>
    %rev3A_242 = arith.subi %rev3A_240, %rev3A_241 : vector<16xi32>
    %rev3A_243 = tpu.dynamic_gather %scan3A_203#6[%rev3A_242] in [0] : vector<16xf32>, vector<16xi32> -> vector<16xf32>
    %max3A_244 = arith.maximumf %scan3A_203#5, %rev3A_243 : vector<16xf32>
    %min3A_245 = arith.minimumf %max3A_238, %max3A_244 : vector<16xf32>
    %max3A_246 = arith.maximumf %max3A_238, %max3A_244 : vector<16xf32>
    %sort3A_247 = arith.constant dense<true> : vector<16xi1>
    %sort3A_248, %sort3A_249, %sort3A_250 = tpu.sort %min3A_245, %min3A_245 masked %sort3A_247 : (vector<16xf32>, vector<16xf32>, vector<16xi1>) -> (vector<16xi1>, vector<16xf32>, vector<16xf32>)
    %sort3A_251 = arith.constant dense<true> : vector<16xi1>
    %sort3A_252, %sort3A_253, %sort3A_254 = tpu.sort %max3A_246, %max3A_246 masked %sort3A_251 : (vector<16xf32>, vector<16xf32>, vector<16xi1>) -> (vector<16xi1>, vector<16xf32>, vector<16xf32>)
    %rev3A_255 = arith.constant 15 : i32
    %rev3A_256 = vector.broadcast %rev3A_255 : i32 to vector<16xi32>
    %rev3A_257 = tpu.iota {dimensions = array<i32: 0>} : vector<16xi32>
    %rev3A_258 = arith.subi %rev3A_256, %rev3A_257 : vector<16xi32>
    %rev3A_259 = tpu.dynamic_gather %scan3A_203#11[%rev3A_258] in [0] : vector<16xf32>, vector<16xi32> -> vector<16xf32>
    %max3A_260 = arith.maximumf %scan3A_203#8, %rev3A_259 : vector<16xf32>
    %rev3A_261 = arith.constant 15 : i32
    %rev3A_262 = vector.broadcast %rev3A_261 : i32 to vector<16xi32>
    %rev3A_263 = tpu.iota {dimensions = array<i32: 0>} : vector<16xi32>
    %rev3A_264 = arith.subi %rev3A_262, %rev3A_263 : vector<16xi32>
    %rev3A_265 = tpu.dynamic_gather %scan3A_203#10[%rev3A_264] in [0] : vector<16xf32>, vector<16xi32> -> vector<16xf32>
    %max3A_266 = arith.maximumf %scan3A_203#9, %rev3A_265 : vector<16xf32>
    %min3A_267 = arith.minimumf %max3A_260, %max3A_266 : vector<16xf32>
    %max3A_268 = arith.maximumf %max3A_260, %max3A_266 : vector<16xf32>
    %sort3A_269 = arith.constant dense<true> : vector<16xi1>
    %sort3A_270, %sort3A_271, %sort3A_272 = tpu.sort %min3A_267, %min3A_267 masked %sort3A_269 : (vector<16xf32>, vector<16xf32>, vector<16xi1>) -> (vector<16xi1>, vector<16xf32>, vector<16xf32>)
    %sort3A_273 = arith.constant dense<true> : vector<16xi1>
    %sort3A_274, %sort3A_275, %sort3A_276 = tpu.sort %max3A_268, %max3A_268 masked %sort3A_273 : (vector<16xf32>, vector<16xf32>, vector<16xi1>) -> (vector<16xi1>, vector<16xf32>, vector<16xf32>)
    %rev3A_277 = arith.constant 15 : i32
    %rev3A_278 = vector.broadcast %rev3A_277 : i32 to vector<16xi32>
    %rev3A_279 = tpu.iota {dimensions = array<i32: 0>} : vector<16xi32>
    %rev3A_280 = arith.subi %rev3A_278, %rev3A_279 : vector<16xi32>
    %rev3A_281 = tpu.dynamic_gather %scan3A_203#15[%rev3A_280] in [0] : vector<16xf32>, vector<16xi32> -> vector<16xf32>
    %max3A_282 = arith.maximumf %scan3A_203#12, %rev3A_281 : vector<16xf32>
    %rev3A_283 = arith.constant 15 : i32
    %rev3A_284 = vector.broadcast %rev3A_283 : i32 to vector<16xi32>
    %rev3A_285 = tpu.iota {dimensions = array<i32: 0>} : vector<16xi32>
    %rev3A_286 = arith.subi %rev3A_284, %rev3A_285 : vector<16xi32>
    %rev3A_287 = tpu.dynamic_gather %scan3A_203#14[%rev3A_286] in [0] : vector<16xf32>, vector<16xi32> -> vector<16xf32>
    %max3A_288 = arith.maximumf %scan3A_203#13, %rev3A_287 : vector<16xf32>
    %min3A_289 = arith.minimumf %max3A_282, %max3A_288 : vector<16xf32>
    %max3A_290 = arith.maximumf %max3A_282, %max3A_288 : vector<16xf32>
    %sort3A_291 = arith.constant dense<true> : vector<16xi1>
    %sort3A_292, %sort3A_293, %sort3A_294 = tpu.sort %min3A_289, %min3A_289 masked %sort3A_291 : (vector<16xf32>, vector<16xf32>, vector<16xi1>) -> (vector<16xi1>, vector<16xf32>, vector<16xf32>)
    %sort3A_295 = arith.constant dense<true> : vector<16xi1>
    %sort3A_296, %sort3A_297, %sort3A_298 = tpu.sort %max3A_290, %max3A_290 masked %sort3A_295 : (vector<16xf32>, vector<16xf32>, vector<16xi1>) -> (vector<16xi1>, vector<16xf32>, vector<16xf32>)
    %rev3A_299 = arith.constant 15 : i32
    %rev3A_300 = vector.broadcast %rev3A_299 : i32 to vector<16xi32>
    %rev3A_301 = tpu.iota {dimensions = array<i32: 0>} : vector<16xi32>
    %rev3A_302 = arith.subi %rev3A_300, %rev3A_301 : vector<16xi32>
    %rev3A_303 = tpu.dynamic_gather %sort3A_253[%rev3A_302] in [0] : vector<16xf32>, vector<16xi32> -> vector<16xf32>
    %max3A_304 = arith.maximumf %sort3A_227, %rev3A_303 : vector<16xf32>
    %rev3A_305 = arith.constant 15 : i32
    %rev3A_306 = vector.broadcast %rev3A_305 : i32 to vector<16xi32>
    %rev3A_307 = tpu.iota {dimensions = array<i32: 0>} : vector<16xi32>
    %rev3A_308 = arith.subi %rev3A_306, %rev3A_307 : vector<16xi32>
    %rev3A_309 = tpu.dynamic_gather %sort3A_249[%rev3A_308] in [0] : vector<16xf32>, vector<16xi32> -> vector<16xf32>
    %max3A_310 = arith.maximumf %sort3A_231, %rev3A_309 : vector<16xf32>
    %min3A_311 = arith.minimumf %max3A_304, %max3A_310 : vector<16xf32>
    %max3A_312 = arith.maximumf %max3A_304, %max3A_310 : vector<16xf32>
    %sort3A_313 = arith.constant dense<true> : vector<16xi1>
    %sort3A_314, %sort3A_315, %sort3A_316 = tpu.sort %min3A_311, %min3A_311 masked %sort3A_313 : (vector<16xf32>, vector<16xf32>, vector<16xi1>) -> (vector<16xi1>, vector<16xf32>, vector<16xf32>)
    %sort3A_317 = arith.constant dense<true> : vector<16xi1>
    %sort3A_318, %sort3A_319, %sort3A_320 = tpu.sort %max3A_312, %max3A_312 masked %sort3A_317 : (vector<16xf32>, vector<16xf32>, vector<16xi1>) -> (vector<16xi1>, vector<16xf32>, vector<16xf32>)
    %rev3A_321 = arith.constant 15 : i32
    %rev3A_322 = vector.broadcast %rev3A_321 : i32 to vector<16xi32>
    %rev3A_323 = tpu.iota {dimensions = array<i32: 0>} : vector<16xi32>
    %rev3A_324 = arith.subi %rev3A_322, %rev3A_323 : vector<16xi32>
    %rev3A_325 = tpu.dynamic_gather %sort3A_297[%rev3A_324] in [0] : vector<16xf32>, vector<16xi32> -> vector<16xf32>
    %max3A_326 = arith.maximumf %sort3A_271, %rev3A_325 : vector<16xf32>
    %rev3A_327 = arith.constant 15 : i32
    %rev3A_328 = vector.broadcast %rev3A_327 : i32 to vector<16xi32>
    %rev3A_329 = tpu.iota {dimensions = array<i32: 0>} : vector<16xi32>
    %rev3A_330 = arith.subi %rev3A_328, %rev3A_329 : vector<16xi32>
    %rev3A_331 = tpu.dynamic_gather %sort3A_293[%rev3A_330] in [0] : vector<16xf32>, vector<16xi32> -> vector<16xf32>
    %max3A_332 = arith.maximumf %sort3A_275, %rev3A_331 : vector<16xf32>
    %min3A_333 = arith.minimumf %max3A_326, %max3A_332 : vector<16xf32>
    %max3A_334 = arith.maximumf %max3A_326, %max3A_332 : vector<16xf32>
    %sort3A_335 = arith.constant dense<true> : vector<16xi1>
    %sort3A_336, %sort3A_337, %sort3A_338 = tpu.sort %min3A_333, %min3A_333 masked %sort3A_335 : (vector<16xf32>, vector<16xf32>, vector<16xi1>) -> (vector<16xi1>, vector<16xf32>, vector<16xf32>)
    %sort3A_339 = arith.constant dense<true> : vector<16xi1>
    %sort3A_340, %sort3A_341, %sort3A_342 = tpu.sort %max3A_334, %max3A_334 masked %sort3A_339 : (vector<16xf32>, vector<16xf32>, vector<16xi1>) -> (vector<16xi1>, vector<16xf32>, vector<16xf32>)
    %rev3A_343 = arith.constant 15 : i32
    %rev3A_344 = vector.broadcast %rev3A_343 : i32 to vector<16xi32>
    %rev3A_345 = tpu.iota {dimensions = array<i32: 0>} : vector<16xi32>
    %rev3A_346 = arith.subi %rev3A_344, %rev3A_345 : vector<16xi32>
    %rev3A_347 = tpu.dynamic_gather %sort3A_341[%rev3A_346] in [0] : vector<16xf32>, vector<16xi32> -> vector<16xf32>
    %max3A_348 = arith.maximumf %sort3A_315, %rev3A_347 : vector<16xf32>
    %rev3A_349 = arith.constant 15 : i32
    %rev3A_350 = vector.broadcast %rev3A_349 : i32 to vector<16xi32>
    %rev3A_351 = tpu.iota {dimensions = array<i32: 0>} : vector<16xi32>
    %rev3A_352 = arith.subi %rev3A_350, %rev3A_351 : vector<16xi32>
    %rev3A_353 = tpu.dynamic_gather %sort3A_337[%rev3A_352] in [0] : vector<16xf32>, vector<16xi32> -> vector<16xf32>
    %max3A_354 = arith.maximumf %sort3A_319, %rev3A_353 : vector<16xf32>
    %min3A_355 = arith.minimumf %max3A_348, %max3A_354 : vector<16xf32>
    %max3A_356 = arith.maximumf %max3A_348, %max3A_354 : vector<16xf32>
    %reduce_min3A_357 = arith.constant true
    %reduce_min3A_358 = vector.broadcast %reduce_min3A_357 : i1 to vector<16xi1>
    %reduce_min3A_359 = tpu.scan <min>, %min3A_355 masked %reduce_min3A_358 : vector<16xf32>, vector<16xi1> -> vector<16xf32>
    %reduce_min3A_360 = vector.extract %reduce_min3A_359[15] : f32 from vector<16xf32>
    %broadcast_in_dim3A_361 = vector.broadcast %reduce_min3A_360 : f32 to vector<16xf32>
    %add3A_362 = arith.constant 1.000000e-07 : f32
    %add3A_363 = vector.broadcast %add3A_362 : f32 to vector<16xf32>
    %add3A_364 = arith.addf %broadcast_in_dim3A_361, %add3A_363 : vector<16xf32>
    %sub3A_365 = arith.subf %min3A_355, %add3A_364 : vector<16xf32>
    %max3A_366 = arith.constant 0.000000e+00 : f32
    %max3A_367 = vector.broadcast %max3A_366 : f32 to vector<16xf32>
    %max3A_368 = arith.maximumf %sub3A_365, %max3A_367 : vector<16xf32>
    %sub3A_369 = arith.subf %max3A_356, %add3A_364 : vector<16xf32>
    %max3A_370 = arith.constant 0.000000e+00 : f32
    %max3A_371 = vector.broadcast %max3A_370 : f32 to vector<16xf32>
    %max3A_372 = arith.maximumf %sub3A_369, %max3A_371 : vector<16xf32>
    %add3A_373 = arith.addf %max3A_368, %max3A_372 : vector<16xf32>
    %reduce_sum3A_374 = arith.constant true
    %reduce_sum3A_375 = vector.broadcast %reduce_sum3A_374 : i1 to vector<16xi1>
    %reduce_sum3A_376 = tpu.scan <sum>, %add3A_373 masked %reduce_sum3A_375 : vector<16xf32>, vector<16xi1> -> vector<16xf32>
    %reduce_sum3A_377 = vector.extract %reduce_sum3A_376[15] : f32 from vector<16xf32>
    %broadcast_in_dim3A_378 = vector.broadcast %reduce_sum3A_377 : f32 to vector<16xf32>
    %add3A_379 = arith.constant 1.000000e-07 : f32
    %add3A_380 = vector.broadcast %add3A_379 : f32 to vector<16xf32>
    %add3A_381 = arith.addf %broadcast_in_dim3A_378, %add3A_380 : vector<16xf32>
    %broadcast_in_dim3A_382 = arith.constant 1.000000e+00 : f32
    %broadcast_in_dim3A_383 = vector.broadcast %broadcast_in_dim3A_382 : f32 to vector<16xf32>
    %div3A_384 = arith.divf %broadcast_in_dim3A_383, %add3A_381 : vector<16xf32>
    %scan3A_385 = arith.constant 0 : i32
    %scan3A_386 = arith.constant 0 : i32
    %scan3A_387 = arith.constant 128 : i32
    %scan3A_388 = arith.addi %scan3A_386, %scan3A_387 : i32
    %scan3A_389 = arith.constant 1 : i32
    scf.for %scan3A_411 = %scan3A_386 to %scan3A_388 step %scan3A_389  : i32 {
      %mul3A_412 = arith.constant 4 : i32
      %mul3A_413 = arith.muli %scan3A_411, %mul3A_412 : i32
      %add3A_414 = arith.constant 0 : i32
      %add3A_415 = arith.addi %mul3A_413, %add3A_414 : i32
      %mul3A_416 = arith.constant 16 : i32
      %mul3A_417 = arith.muli %add3A_415, %mul3A_416 : i32
      %get3A = arith.index_cast %mul3A_417 : i32 to index
      %get3A_418 = tpu.vector_load %arg5[%get3A] {strides = array<i32>} : memref<8192xf32, #tpu.memory_space<vmem>>, vector<16xf32>,
      %sub3A_419 = arith.subf %get3A_418, %add3A_364 : vector<16xf32>
      %max3A_420 = arith.constant 0.000000e+00 : f32
      %max3A_421 = vector.broadcast %max3A_420 : f32 to vector<16xf32>
      %max3A_422 = arith.maximumf %sub3A_419, %max3A_421 : vector<16xf32>
      %mul3A_423 = arith.mulf %max3A_422, %div3A_384 : vector<16xf32>
      %swap3A = arith.index_cast %mul3A_417 : i32 to index
      %swap3A_424 = tpu.vector_load %arg7[%swap3A] {strides = array<i32>} : memref<8192xf32, #tpu.memory_space<vmem>>, vector<16xf32>,
      tpu.vector_store %arg7[%swap3A], %mul3A_423 {strides = array<i32>} : memref<8192xf32, #tpu.memory_space<vmem>>, vector<16xf32>,
      %mul3A_425 = arith.constant 4 : i32
      %mul3A_426 = arith.muli %scan3A_411, %mul3A_425 : i32
      %add3A_427 = arith.constant 1 : i32
      %add3A_428 = arith.addi %mul3A_426, %add3A_427 : i32
      %mul3A_429 = arith.constant 16 : i32
      %mul3A_430 = arith.muli %add3A_428, %mul3A_429 : i32
      %get3A_431 = arith.index_cast %mul3A_430 : i32 to index
      %get3A_432 = tpu.vector_load %arg5[%get3A_431] {strides = array<i32>} : memref<8192xf32, #tpu.memory_space<vmem>>, vector<16xf32>,
      %sub3A_433 = arith.subf %get3A_432, %add3A_364 : vector<16xf32>
      %max3A_434 = arith.constant 0.000000e+00 : f32
      %max3A_435 = vector.broadcast %max3A_434 : f32 to vector<16xf32>
      %max3A_436 = arith.maximumf %sub3A_433, %max3A_435 : vector<16xf32>
      %mul3A_437 = arith.mulf %max3A_436, %div3A_384 : vector<16xf32>
      %swap3A_438 = arith.index_cast %mul3A_430 : i32 to index
      %swap3A_439 = tpu.vector_load %arg7[%swap3A_438] {strides = array<i32>} : memref<8192xf32, #tpu.memory_space<vmem>>, vector<16xf32>,
      tpu.vector_store %arg7[%swap3A_438], %mul3A_437 {strides = array<i32>} : memref<8192xf32, #tpu.memory_space<vmem>>, vector<16xf32>,
      %mul3A_440 = arith.constant 4 : i32
      %mul3A_441 = arith.muli %scan3A_411, %mul3A_440 : i32
      %add3A_442 = arith.constant 2 : i32
      %add3A_443 = arith.addi %mul3A_441, %add3A_442 : i32
      %mul3A_444 = arith.constant 16 : i32
      %mul3A_445 = arith.muli %add3A_443, %mul3A_444 : i32
      %get3A_446 = arith.index_cast %mul3A_445 : i32 to index
      %get3A_447 = tpu.vector_load %arg5[%get3A_446] {strides = array<i32>} : memref<8192xf32, #tpu.memory_space<vmem>>, vector<16xf32>,
      %sub3A_448 = arith.subf %get3A_447, %add3A_364 : vector<16xf32>
      %max3A_449 = arith.constant 0.000000e+00 : f32
      %max3A_450 = vector.broadcast %max3A_449 : f32 to vector<16xf32>
      %max3A_451 = arith.maximumf %sub3A_448, %max3A_450 : vector<16xf32>
      %mul3A_452 = arith.mulf %max3A_451, %div3A_384 : vector<16xf32>
      %swap3A_453 = arith.index_cast %mul3A_445 : i32 to index
      %swap3A_454 = tpu.vector_load %arg7[%swap3A_453] {strides = array<i32>} : memref<8192xf32, #tpu.memory_space<vmem>>, vector<16xf32>,
      tpu.vector_store %arg7[%swap3A_453], %mul3A_452 {strides = array<i32>} : memref<8192xf32, #tpu.memory_space<vmem>>, vector<16xf32>,
      %mul3A_455 = arith.constant 4 : i32
      %mul3A_456 = arith.muli %scan3A_411, %mul3A_455 : i32
      %add3A_457 = arith.constant 3 : i32
      %add3A_458 = arith.addi %mul3A_456, %add3A_457 : i32
      %mul3A_459 = arith.constant 16 : i32
      %mul3A_460 = arith.muli %add3A_458, %mul3A_459 : i32
      %get3A_461 = arith.index_cast %mul3A_460 : i32 to index
      %get3A_462 = tpu.vector_load %arg5[%get3A_461] {strides = array<i32>} : memref<8192xf32, #tpu.memory_space<vmem>>, vector<16xf32>,
      %sub3A_463 = arith.subf %get3A_462, %add3A_364 : vector<16xf32>
      %max3A_464 = arith.constant 0.000000e+00 : f32
      %max3A_465 = vector.broadcast %max3A_464 : f32 to vector<16xf32>
      %max3A_466 = arith.maximumf %sub3A_463, %max3A_465 : vector<16xf32>
      %mul3A_467 = arith.mulf %max3A_466, %div3A_384 : vector<16xf32>
      %swap3A_468 = arith.index_cast %mul3A_460 : i32 to index
      %swap3A_469 = tpu.vector_load %arg7[%swap3A_468] {strides = array<i32>} : memref<8192xf32, #tpu.memory_space<vmem>>, vector<16xf32>,
      tpu.vector_store %arg7[%swap3A_468], %mul3A_467 {strides = array<i32>} : memref<8192xf32, #tpu.memory_space<vmem>>, vector<16xf32>,
    }
    %scan3A_390 = arith.constant 128 : i32
    %add3A_391 = arith.constant 1 : i32
    %add3A_392 = arith.addi %mul3A_2, %add3A_391 : i32
    %dma_start3A_393 = arith.constant 0 : i32
    %dma_start3A_394 = tpu.memref_slice %arg3[%add3A_392, %dma_start3A_393] : memref<64x8192xf32, #tpu.memory_space<hbm>> -> memref<1x8192xf32, #tpu.memory_space<hbm>>
    %dma_start3A_395 = tpu.memref_squeeze %dma_start3A_394 : memref<1x8192xf32, #tpu.memory_space<hbm>> -> memref<8192xf32, #tpu.memory_space<hbm>>
    %dma_start3A_396 = arith.constant 0 : i32
    %dma_start3A_397 = tpu.memref_slice %arg3[%add3A_392, %dma_start3A_396] : memref<64x8192xf32, #tpu.memory_space<hbm>> -> memref<1x8192xf32, #tpu.memory_space<hbm>>
    %dma_start3A_398 = tpu.memref_squeeze %dma_start3A_397 : memref<1x8192xf32, #tpu.memory_space<hbm>> -> memref<8192xf32, #tpu.memory_space<hbm>>
    tpu.enqueue_dma source(%arg7 : memref<8192xf32, #tpu.memory_space<vmem>>) target(%dma_start3A_398 : memref<8192xf32, #tpu.memory_space<hbm>>) target_semaphore(%arg11 : memref<!tpu.dma_semaphore, #tpu.memory_space<semaphore_mem>>)
    %dma_wait3A_399 = arith.constant 0 : i32
    %dma_wait3A_400 = tpu.memref_slice %arg3[%mul3A_2, %dma_wait3A_399] : memref<64x8192xf32, #tpu.memory_space<hbm>> -> memref<1x8192xf32, #tpu.memory_space<hbm>>
    %dma_wait3A_401 = tpu.memref_squeeze %dma_wait3A_400 : memref<1x8192xf32, #tpu.memory_space<hbm>> -> memref<8192xf32, #tpu.memory_space<hbm>>
    %dma_wait3A_402 = arith.constant 0 : i32
    %dma_wait3A_403 = tpu.memref_slice %arg3[%mul3A_2, %dma_wait3A_402] : memref<64x8192xf32, #tpu.memory_space<hbm>> -> memref<1x8192xf32, #tpu.memory_space<hbm>>
    %dma_wait3A_404 = tpu.memref_squeeze %dma_wait3A_403 : memref<1x8192xf32, #tpu.memory_space<hbm>> -> memref<8192xf32, #tpu.memory_space<hbm>>
    tpu.wait_dma2 semaphore(%arg10 : memref<!tpu.dma_semaphore, #tpu.memory_space<semaphore_mem>>) src(%arg6 : memref<8192xf32, #tpu.memory_space<vmem>>) dst(%dma_wait3A_404 : memref<8192xf32, #tpu.memory_space<hbm>>)
    %dma_wait3A_405 = arith.constant 0 : i32
    %dma_wait3A_406 = tpu.memref_slice %arg3[%add3A_392, %dma_wait3A_405] : memref<64x8192xf32, #tpu.memory_space<hbm>> -> memref<1x8192xf32, #tpu.memory_space<hbm>>
    %dma_wait3A_407 = tpu.memref_squeeze %dma_wait3A_406 : memref<1x8192xf32, #tpu.memory_space<hbm>> -> memref<8192xf32, #tpu.memory_space<hbm>>
    %dma_wait3A_408 = arith.constant 0 : i32
    %dma_wait3A_409 = tpu.memref_slice %arg3[%add3A_392, %dma_wait3A_408] : memref<64x8192xf32, #tpu.memory_space<hbm>> -> memref<1x8192xf32, #tpu.memory_space<hbm>>
    %dma_wait3A_410 = tpu.memref_squeeze %dma_wait3A_409 : memref<1x8192xf32, #tpu.memory_space<hbm>> -> memref<8192xf32, #tpu.memory_space<hbm>>
    tpu.wait_dma2 semaphore(%arg11 : memref<!tpu.dma_semaphore, #tpu.memory_space<semaphore_mem>>) src(%arg7 : memref<8192xf32, #tpu.memory_space<vmem>>) dst(%dma_wait3A_410 : memref<8192xf32, #tpu.memory_space<hbm>>)
    return
  }
}

</mosaic_0001>

<sc_bundles>
// kernel: _sc_call.3.cloned.1.call-start
scs
__scs_entry_jumppad:
0x0: {  	(pc) =	sbr.rel $0x88, $3  }
0x1: {  	(tag) =	ssettag $0x0;
	lr =	simm.s32 $0x1  }
0x2: {  	[smem:$0x3FA0] =	sst lr;
	_ =	strace $0xD0000000  }
0x3: {  	_ = 	snop  }
0x4: {  	_ = 	snop  }
0x5: {  	_ = 	snop  }
0x6: {  	_ = 	snop  }
0x7: {  	_ = 	snop  }
__scs_overlays_trampoline_lowered:
0x8: {  	[smem:$0x3FAF] =	sst s0  }
0x9: {  	[smem:$0x3FB0] =	sst s1  }
0xa: {  	[smem:$0x3FB1] =	sst s2  }
0xb: {  	[smem:$0x3FB2] =	sst s3  }
0xc: {  	[smem:$0x3FB3] =	sst s4  }
0xd: {  	[smem:$0x3FB4] =	sst s5  }
0xe: {  	[smem:$0x3FB5] =	sst s6  }
0xf: {  	[smem:$0x3FB6] =	sst s7  }
0x10: {  	[smem:$0x3FB7] =	sst s8  }
0x11: {  	[smem:$0x3FB8] =	sst s9;
	s0 =	simm.s32 @!p0 $0x0  }
0x12: {  	s1 =	sld [smem:$0x3F9E];
	s0 =	simm.s32 @p0 $0x1  }
0x13: {  	[smem:$0x3FB9] =	sst s0;
	s0 =	simm.s32 @!p1 $0x0  }
0x14: {  	s2 =	sld [smem:$0x3F9D];
	s0 =	simm.s32 @p1 $0x1  }
0x15: {  	[smem:$0x3FBA] =	sst s0;
	s0 =	simm.s32 @!p2 $0x0  }
0x16: {  	s3 =	sld [smem:$0x3FDB];
	s0 =	simm.s32 @p2 $0x1  }
0x17: {  	s4 =	simm.s32 $0x1BF5;
	[smem:$0x3FBC] =	sst s0  }
0x18: {  	s0 =	sld [smem:$0x3F9F];
	_ =	swait.ge [sflag:s4], $0x0  }
0x19: {  	s7 =	sld [smem:$0x3FA0]  }
0x1a: {  	s8 =	sadd.s32 $0xFFFFE003, lr  }
0x1b: {  	s9 =	sadd.s32 $0xFFFFFEF7, lr;
	s5 =	simm.s32 $0xFFFFFFFF;
	p2 =	slt.u32 s8, $0xFFFFF086  }
0x1c: {  	p1 =	slt.u32 s9, $0xF7A;
	s5 =	simm.s32 @!p2 $0x0  }
0x1d: {  	s5 =	simm.s32 @p1 $0x1;
	p0 =	seq.s32 s7, s2  }
0x1e: {  	s7 =	smul.u32 @!p0 $0xF7A, s2;
	p2 =	seq.s32 @!p0 s5, $0x0  }
0x1f: {  	s9 =	smul.u32 $0xF7A, s1;
	s8 =	simm.s32 @!p0 $0x1BF5;
	p2 =	por !p2, p0  }
0x20: {  	[sflag:s8] =	ssyncset.s32 @!p0 $0xFFFFF086;
	s6 =	sadd.s32 @!p0 s3, s7;
	s7 =	simm.s32 @!p0 $0x108  }
0x21: {  	s3 =	sadd.s32 s3, s9;
	s6 =	sadd.s32 @!p0 $0x88, s6;
	s7 =	simm.s32 @p2 $0x1082  }
0x22: {  	[simem:s7], [sflag:s8] =	dma.local @!p0 [hbm:s6], $0xF7A  }
0x23: {  	s9 =	sor.u32 $0xD0000000, s2;
	s6 =	simm.s32 $0x108;
	_ =	swait.ge @!p0 [sflag:s8], $0x0  }
0x24: {  	s3 =	sadd.s32 $0x88, s3;
	s6 =	simm.s32 @!p1 $0x1082;
	[sflag:s4] =	ssyncset.s32 $0xFFFFF086  }
0x25: {  	[simem:s6], [sflag:s4] =	dma.local [hbm:s3], $0xF7A  }
0x26: {  	[smem:$0x3FA0] =	sst s1;
	(tag) =	ssettag s2;
	_ =	strace s9  }
0x27: {  	s1 =	sld [smem:$0x3FB0]  }
0x28: {  	s2 =	sld [smem:$0x3FB1]  }
0x29: {  	s4 =	sld [smem:$0x3FB3]  }
0x2a: {  	p0 =	seq.s32 s5, $0x0;
	s5 =	sld [smem:$0x3FB4]  }
0x2b: {  	s6 =	sld [smem:$0x3FB5]  }
0x2c: {  	s7 =	sld [smem:$0x3FB6]  }
0x2d: {  	s3 =	simm.s32 $0x108;
	s8 =	sld [smem:$0x3FB7]  }
0x2e: {  	s3 =	simm.s32 @!p0 $0x1082;
	s9 =	sld [smem:$0x3FB8]  }
0x2f: {  	lr =	sadd.s32 s0, s3;
	s0 =	sld [smem:$0x3FAF]  }
0x30: {  	s3 =	sld [smem:$0x3FB2]  }
0x31: {  	[smem:$0x3FBB] =	sst s10  }
0x32: {  	s10 =	sld [smem:$0x3FB9];
	_ =	sdelay $0x3  }
0x33: {  	p0 =	seq.s32 s10, $0x1;
	s10 =	sld [smem:$0x3FBB];
	_ =	sdelay $0x3  }
0x34: {  	[smem:$0x3FBB] =	sst s10  }
0x35: {  	s10 =	sld [smem:$0x3FBA];
	_ =	sdelay $0x3  }
0x36: {  	p1 =	seq.s32 s10, $0x1;
	s10 =	sld [smem:$0x3FBB];
	_ =	sdelay $0x3  }
0x37: {  	[smem:$0x3FBB] =	sst s10  }
0x38: {  	s10 =	sld [smem:$0x3FBC]  }
0x39: {  	_ = 	snop;
	(pc) =	sbr.ind lr, $3  }
0x3a: {  	_ = 	snop  }
0x3b: {  	_ = 	snop  }
0x3c: {  	p2 =	seq.s32 s10, $0x1;
	s10 =	sld [smem:$0x3FBB]  }
0x3d: {  	_ =	shalt  }
0x3e: {  	_ =	shalt  }
0x3f: {  	_ =	shalt  }
0x40: {  	_ =	shalt  }
0x41: {  	_ =	shalt  }
0x42: {  	_ =	shalt  }
0x43: {  	_ =	shalt  }
0x44: {  	_ =	shalt  }
0x45: {  	_ =	shalt  }
0x46: {  	_ =	shalt  }
0x47: {  	_ =	shalt  }
0x48: {  	_ =	shalt  }
0x49: {  	_ =	shalt  }
0x4a: {  	_ =	shalt  }
0x4b: {  	_ =	shalt  }
0x4c: {  	_ =	shalt  }
0x4d: {  	_ =	shalt  }
0x4e: {  	_ =	shalt  }
0x4f: {  	_ =	shalt  }
0x50: {  	_ =	shalt  }
0x51: {  	_ =	shalt  }
0x52: {  	_ =	shalt  }
0x53: {  	_ =	shalt  }
0x54: {  	_ =	shalt  }
0x55: {  	_ =	shalt  }
0x56: {  	_ =	shalt  }
0x57: {  	_ =	shalt  }
0x58: {  	_ =	shalt  }
0x59: {  	_ =	shalt  }
0x5a: {  	_ =	shalt  }
0x5b: {  	_ =	shalt  }
0x5c: {  	_ =	shalt  }
0x5d: {  	_ =	shalt  }
0x5e: {  	_ =	shalt  }
0x5f: {  	_ =	shalt  }
0x60: {  	_ =	shalt  }
0x61: {  	_ =	shalt  }
0x62: {  	_ =	shalt  }
0x63: {  	_ =	shalt  }
0x64: {  	_ =	shalt  }
0x65: {  	_ =	shalt  }
0x66: {  	_ =	shalt  }
0x67: {  	_ =	shalt  }
0x68: {  	_ =	shalt  }
0x69: {  	_ =	shalt  }
0x6a: {  	_ =	shalt  }
0x6b: {  	_ =	shalt  }
0x6c: {  	_ =	shalt  }
0x6d: {  	_ =	shalt  }
0x6e: {  	_ =	shalt  }
0x6f: {  	_ =	shalt  }
0x70: {  	_ =	shalt  }
0x71: {  	_ =	shalt  }
0x72: {  	_ =	shalt  }
0x73: {  	_ =	shalt  }
0x74: {  	_ =	shalt  }
0x75: {  	_ =	shalt  }
0x76: {  	_ =	shalt  }
0x77: {  	_ =	shalt  }
0x78: {  	_ =	shalt  }
0x79: {  	_ =	shalt  }
0x7a: {  	_ =	shalt  }
0x7b: {  	_ =	shalt  }
0x7c: {  	_ =	shalt  }
0x7d: {  	_ =	shalt  }
0x7e: {  	_ =	shalt  }
0x7f: {  	_ =	shalt  }
0x80: {  	_ =	shalt  }
0x81: {  	_ =	shalt  }
0x82: {  	_ =	shalt  }
0x83: {  	_ =	shalt  }
0x84: {  	_ =	shalt  }
0x85: {  	_ =	shalt  }
0x86: {  	_ =	shalt  }
0x87: {  	_ =	shalt  }
.Lfunc_end0:
.L_simem_size_0:
called_computation_lowered:
.L_overlay_start_0:
0x88: {  	s2 =	sld [smem:$0x3FD9]  }
0x89: {  	s3 =	sld [smem:$0x3FFE];
	_ =	sdelay $0x1  }
0x8a: {  	s1 =	srdreg.scid  }
0x8b: {  	s0 =	sand.u32 $0x1, s1  }
0x8c: {  	s18 =	sshll.u32 s0, $0xA;
	s2 =	sadd.s32 s3, s2  }
0x8d: {  	s2 =	sadd.s32 s2, s18  }
0x8e: {  	[smem:$0x3FC7] =	sst s2  }
0x8f: {  	_ = 	snop  }
0x90: {  	s2 =	sld [smem:$0x3FC9]  }
0x91: {  	s19 =	sld [smem:$0x3FD0];
	(tm) =	ssettm $0x1  }
0x92: {  	s4 =	sld [smem:$0x3FFB];
	_ =	sdelay $0x3  }
0x93: {  	_ =	strace s4  }
0x94: {  	s4 =	sld [smem:$0x3FFC];
	_ =	sdelay $0x3  }
0x95: {  	_ =	strace s4  }
0x96: {  	s4 =	sld [smem:$0x3FFD];
	_ =	sdelay $0x3  }
0x97: {  	_ =	strace s4  }
0x98: {  	_ =	strace $0x8FFFFFFF  }
0x99: {  	s20 =	sld [smem:$0x3FDB];
	_ =	sdelay $0x1  }
0x9a: {  	s5 =	simm.s32 $_scs_section_size  }
0x9b: {  	s6 =	simm.s32 $_size__tile_overlayer_lowered;
	s7 =	simm.s32 $_tile_overlayer_lowered  }
0x9c: {  	s23 =	simm.s32 $0x1BFF;
	s22 =	sshll.u32 s7, $0x1;
	s4 =	sadd.s32 s5, s20  }
0x9d: {  	s8 =	simm.s32 $0x0;
	s21 =	sshll.u32 s6, $0x1;
	s6 =	sadd.s32 s22, s4  }
0x9e: {  	[timem:s8], [sflag:s23] =	dma.local [hbm:s6], s21  }
0x9f: {  	_ =	swait.ge [sflag:s23], s21  }
0xa0: {  	s5 =	ssub.s32 $0x0, s21;
	[sflag:s23] =	ssyncset.done $0x0  }
0xa1: {  	[sflag:s23] =	ssyncadd.s32 s5;
	_ =	sdelay $0x1  }
0xa2: {  	s24 =	simm.s32 $0x1B8B  }
0xa3: {  	_ =	swait.ge [sflag:s24], $0x1  }
0xa4: {  	[sflag:s24] =	ssyncset.done $0x0  }
0xa5: {  	s25 =	simm.s32 $0x1B8E;
	[sflag:s24] =	ssyncadd.s32 $0xFFFFFFFF  }
0xa6: {  	s26 =	simm.s32 $execute0_lowered;
	[smem:$0x3FD2] =	sst s25  }
0xa7: {  	s5 =	sshll.u32 s26, $0x1;
	_ =	strace $0x80000046;
	[dreg:$0x1] =	wrdreg $0xFFFFFFFF  }
0xa8: {  	s28 =	simm.s32 $_size_execute0_lowered;
	s4 =	sadd.s32 s4, s5;
	[dreg:$0x0] =	wrdreg $0x0  }
0xa9: {  	s5 =	sshll.u32 s28, $0x1;
	[dreg:$0x2] =	wrdreg s4  }
0xaa: {  	[dreg:$0x3] =	wrdreg s5  }
0xab: {  	[dreg:$0x4] =	wrdreg $0xC0  }
0xac: {  	_ =	task [dreg:s8], $0x5FFFF  }
0xad: {  	[dreg:$0x1] =	wrdreg $0xFFFFFFFF  }
0xae: {  	[dreg:$0x0] =	wrdreg $0x60  }
0xaf: {  	[dreg:$0x2] =	wrdreg s2  }
0xb0: {  	[dreg:$0x3] =	wrdreg s19  }
0xb1: {  	[dreg:$0x4] =	wrdreg $0x9  }
0xb2: {  	_ =	task.clear_ibuf [dreg:s8], $0x5FFFF;
	_ =	strace $0x90000046  }
0xb3: {  	s29 =	simm.s32 $0x9;
	_ =	strace $0x80000048  }
0xb4: {  	_ =	swait.ge [sflag:s29], $0x1  }
0xb5: {  	[sflag:s29] =	ssyncadd.s32 $0xFFFFFFFF  }
0xb6: {  	_ =	strace $0x90000048  }
0xb7: {  	_ =	sfence  }
0xb8: {  	s30 =	sld [smem:$0x0];
	_ =	sdelay $0x2  }
0xb9: {  	s31 =	sshll.u32 s1, $0xD;
	s1 =	sshrl.u32 s1, $0x2  }
0xba: {  	s3 =	sand.u32 $0x4000, s31;
	s1 =	sadd.s32 s1, s30  }
0xbb: {  	s0 =	sor.u32 s3, s0;
	s1 =	sshll.u32 s1, $0x11  }
0xbc: {  	s0 =	sor.u32 s1, s0  }
0xbd: {  	s0 =	sadd.s32 $0x8F2B, s0  }
0xbe: {  	[sflag:s0] =	ssyncadd.remote.s32 $0x1  }
0xbf: {  	_ =	sfence.sel $0xFFFF  }
0xc0: {  	[dreg:$0x0] =	wrdreg $0xFFFFFFFF;
	(pc) =	sbr.abs _section_cstart, $3  }
0xc1: {  	[dreg:$0x1] =	wrdreg $0xFFFFFFFF  }
0xc2: {  	_ =	task.clear_ibuf [dreg:s8], $0x2FFFF;
	_ =	strace $0x9FFFFFFF  }
0xc3: {  	(tm) =	ssettm $0x7FFFFFFF  }
tec
execute0_lowered:
.L_overlay_start_1:
0x0: {  	(tag) =	ssettag $0x1  }
0x1: {  	s4 =	rddreg [dreg:$0x0]  }
0x2: {  	s6 =	rddreg [dreg:$0x1]  }
0x3: {  	s0 =	rddreg [dreg:$0x2]  }
0x4: {  	s3 =	srdreg.scid;
	s1 =	stileid.u32  }
0x5: {  	s2 =	simm.s32 $0x0;
	s9 =	simm.s32 $0x400;
	s10 =	simm.s32 $0x2000  }
0x6: {  	s11 =	simm.s32 $0x1;
	s12 =	simm.s32 $0x2;
	s13 =	simm.s32 $0x4000  }
0x7: {  	s14 =	simm.s32 $0x6000;
	s15 =	simm.s32 $0x3;
	s16 =	simm.s32 $0x4  }
0x8: {  	s17 =	simm.s32 $0x0;
	s3 =	sand.u32 $0x1, s3;
	s5 =	sshll.u32 s1, $0x6  }
0x9: {  	s8 =	sshll.u32 s1, $0xC;
	s7 =	sshll.u32 s3, $0x5;
	s5 =	sand.u32 $0x40, s5  }
0xa: {  	s3 =	ssub.s32 $0x2, s3;
	s8 =	sand.u32 $0xE000, s8;
	s5 =	sor.u32 s7, s5  }
0xb: {  	v0 =	vlaneseq.u32;
	[smem:$0x7FF] =	sst s2;
	s31 =	sshrl.u32 s3, $0x1;
	s5 =	sor.u32 s8, s5  }
0xc: {  	v0 =	vmul.u32 $0xFFFFFFFF, v0;
	_ =	strace $0x80000047;
	s7 =	ssub.s32 s3, s31;
	s8 =	sor.u32 $0x10, s5  }
0xd: {  	s3 =	sadd.s32 s4, s5;
	s5 =	sadd.s32 s6, s5;
	s7 =	smax.u32 s7, $0x1  }
0xe: {  	v0 =	vadd.s32 $0xF, v0;
	s4 =	sadd.s32 s4, s8;
	s6 =	sadd.s32 s6, s8;
	s8 =	simm.s32 $0x80  }
.LBB2_1:
0xf: {  	[tilespmem:s2], [sflag:$0x1] =	stream.strided.gather [hbm4b:s3+s8], $0x2000, s9, s8, $0x38;
	[tilespmem:$0x8000] =	vst v63  }
0x10: {  	_ = 	snop  }
0x11: {  	[tilespmem:s10], [sflag:$0x2] =	stream.strided.gather [hbm4b:s4+s8], $0x2000, s9, s8, $0x38;
	[tilespmem:$0x8000] =	vst v63  }
0x12: {  	_ =	swait.ge [sflag:s11], $0x2000  }
0x13: {  	[sflag:s11] =	ssyncset.done $0x0  }
0x14: {  	[sflag:s11] =	ssyncadd.s32 $0xFFFFE000  }
0x15: {  	s18 =	sand.u32 $0x3F0, s2;
	v1 =	vld [tilespmem:s2+$0x0]  }
0x16: {  	v2 =	vld [tilespmem:s18+$0x400];
	_ =	sdelay $0x3  }
0x17: {  	(xrf1) =	vsort.ascd.msk.f32 $0xffff, v1, v1  }
0x18: {  	(xrf1) =	vsort.ascd.msk.f32 $0xffff, v2, v2;
	_ =	sdelay $0x1  }
0x19: {  	v1 =	vld [tilespmem:s18+$0xC00]  }
0x1a: {  	v2 =	vld [tilespmem:s18+$0x800]  }
0x1b: {  	v3 =	vld [tilespmem:s18+$0x1400]  }
0x1c: {  	v4 =	vld [tilespmem:s18+$0x1800]  }
0x1d: {  	v5 =	vld [tilespmem:s18+$0x1C00]  }
0x1e: {  	(xrf1) =	vsort.ascd.msk.f32 $0xffff, v1, v1  }
0x1f: {  	(xrf1) =	vsort.ascd.msk.f32 $0xffff, v2, v2  }
0x20: {  	(xrf1) =	vsort.ascd.msk.f32 $0xffff, v3, v3  }
0x21: {  	(xrf1) =	vsort.ascd.msk.f32 $0xffff, v4, v4  }
0x22: {  	(xrf1) =	vsort.ascd.msk.f32 $0xffff, v5, v5;
	_ =	sdelay $0x1  }
0x23: {  	v1 =	vld [tilespmem:s18+$0x1000];
	v3, _, _ =	vpop (xrf1)  }
0x24: {  	v2, _, _ =	vpop (xrf1)  }
0x25: {  	v4 =	vperm.xlane v2, v0  }
0x26: {  	s31 =	simm.s32 $0x10;
	v2 =	vimm.f32 $-Inf  }
0x27: {  	s18 =	sand.u32 $0x3F0, s31;
	v5 =	vld [tilespmem:s31+$0x0];
	v4 =	vmax.f32 v2, v4  }
0x28: {  	(xrf1) =	vsort.ascd.msk.f32 $0xffff, v1, v1;
	v1 =	vld [tilespmem:s18+$0x400];
	v6 =	vmax.f32 v4, v2  }
0x29: {  	v7 =	vld [tilespmem:s18+$0xC00];
	v4 =	vmin.f32 v4, v2  }
0x2a: {  	v8 =	vld [tilespmem:s18+$0x800];
	(xrf1) =	vsort.ascd.msk.f32 $0xffff, v6, v6  }
0x2b: {  	v9 =	vld [tilespmem:s18+$0x1400];
	(xrf1) =	vsort.ascd.msk.f32 $0xffff, v4, v4;
	v6, _, _ =	vpop (xrf1)  }
0x2c: {  	(xrf1) =	vsort.ascd.msk.f32 $0xffff, v5, v5;
	v4, _, _ =	vpop (xrf1)  }
0x2d: {  	v10 =	vld [tilespmem:s18+$0x1800];
	v6 =	vperm.xlane v6, v0;
	(xrf1) =	vsort.ascd.msk.f32 $0xffff, v1, v1;
	v5, _, _ =	vpop (xrf1)  }
0x2e: {  	v11 =	vld [tilespmem:s18+$0x1C00];
	(xrf1) =	vsort.ascd.msk.f32 $0xffff, v7, v7;
	v1, _, _ =	vpop (xrf1)  }
0x2f: {  	v6 =	vmax.f32 v2, v6;
	(xrf1) =	vsort.ascd.msk.f32 $0xffff, v8, v8;
	v7, _, _ =	vpop (xrf1)  }
0x30: {  	(xrf1) =	vsort.ascd.msk.f32 $0xffff, v9, v9;
	v8 =	vmin.f32 v6, v2;
	v7 =	vperm.xlane v7, v0  }
0x31: {  	v1 =	vperm.xlane v1, v0;
	v9 =	vld [tilespmem:s18+$0x1000];
	(xrf1) =	vsort.ascd.msk.f32 $0xffff, v8, v8  }
0x32: {  	v3 =	vperm.xlane v3, v0;
	(xrf1) =	vsort.ascd.msk.f32 $0xffff, v10, v10;
	v7 =	vmax.f32 v2, v7  }
0x33: {  	v1 =	vmax.f32 v2, v1;
	(xrf1) =	vsort.ascd.msk.f32 $0xffff, v11, v11;
	v8 =	vmin.f32 v7, v2  }
0x34: {  	v4 =	vperm.xlane v4, v0;
	v10 =	vmin.f32 v1, v2;
	(xrf1) =	vsort.ascd.msk.f32 $0xffff, v8, v8  }
0x35: {  	v5 =	vperm.xlane v5, v0;
	v6 =	vmax.f32 v6, v2;
	(xrf1) =	vsort.ascd.msk.f32 $0xffff, v10, v10  }
0x36: {  	v1 =	vmax.f32 v1, v2;
	v7 =	vmax.f32 v7, v2;
	v8, _, _ =	vpop (xrf1);
	(xrf1) =	vsort.ascd.msk.f32 $0xffff, v9, v9  }
0x37: {  	v8 =	vperm.xlane v8, v0;
	(xrf1) =	vsort.ascd.msk.f32 $0xffff, v7, v7;
	v7 =	vmax.f32 v2, v5  }
0x38: {  	v10 =	vmax.f32 v2, v4;
	v4, _, _ =	vpop (xrf1);
	(xrf1) =	vsort.ascd.msk.f32 $0xffff, v1, v1;
	v9 =	vmin.f32 v7, v2  }
0x39: {  	v5, _, _ =	vpop (xrf1);
	v8 =	vmax.f32 v2, v8;
	(xrf1) =	vsort.ascd.msk.f32 $0xffff, v6, v6  }
0x3a: {  	v11 =	vmax.f32 v2, v3;
	v1, _, _ =	vpop (xrf1);
	v6 =	vmax.f32 v8, v2;
	(xrf1) =	vsort.ascd.msk.f32 $0xffff, v9, v9  }
0x3b: {  	v12 =	vmax.f32 v7, v2;
	v13 =	vmin.f32 v8, v2;
	v9, _, _ =	vpop (xrf1);
	(xrf1) =	vsort.ascd.msk.f32 $0xffff, v6, v6  }
0x3c: {  	v8 =	vmin.f32 v10, v2;
	v6 =	vmax.f32 v10, v2;
	v7, _, _ =	vpop (xrf1);
	(xrf1) =	vsort.ascd.msk.f32 $0xffff, v12, v12  }
0x3d: {  	s19 =	simm.s32 $0x20;
	s18 =	simm.s32 $0x20;
	v10 =	vmin.f32 v11, v2;
	v9 =	vperm.xlane v9, v0;
	v3, _, _ =	vpop (xrf1);
	(xrf1) =	vsort.ascd.msk.f32 $0xffff, v13, v13  }
.LBB2_2:
0x3e: {  	v12 =	vld [tilespmem:s19+$0x0];
	s20 =	sand.u32 $0x3F0, s18;
	p0 =	sne.s32 s18, $0x3F0;
	s18 =	sadd.s32 $0x10, s18;
	v13, _, _ =	vpop (xrf1);
	v11 =	vmax.f32 v11, v2;
	(xrf1) =	vsort.ascd.msk.f32 $0xffff, v8, v8  }
0x3f: {  	v8 =	vld [tilespmem:s20+$0x400];
	v16 =	vmax.f32 v5, v9;
	(xrf1) =	vsort.ascd.msk.f32 $0xffff, v11, v11;
	v2, _, _ =	vpop (xrf1)  }
0x40: {  	v9 =	vld [tilespmem:s20+$0x800];
	v11 =	vmin.f32 v16, v4;
	v15 =	vmax.f32 v16, v4;
	v5, _, _ =	vpop (xrf1);
	(xrf1) =	vsort.ascd.msk.f32 $0xffff, v10, v10  }
0x41: {  	v7 =	vperm.xlane v7, v0;
	v10 =	vld [tilespmem:s20+$0xC00];
	v5 =	vperm.xlane v5, v0;
	v14, _, _ =	vpop (xrf1);
	(xrf1) =	vsort.ascd.msk.f32 $0xffff, v6, v6  }
0x42: {  	v6 =	vld [tilespmem:s20+$0x1000];
	v14 =	vperm.xlane v14, v0;
	(xrf1) =	vsort.ascd.msk.f32 $0xffff, v15, v15;
	v4, _, _ =	vpop (xrf1)  }
0x43: {  	v7 =	vmax.f32 v2, v7;
	v15 =	vld [tilespmem:s20+$0x1400];
	(xrf1) =	vsort.ascd.msk.f32 $0xffff, v11, v11;
	v2, _, _ =	vpop (xrf1)  }
0x44: {  	v11 =	vld [tilespmem:s20+$0x1800];
	(xrf1) =	vsort.ascd.msk.f32 $0xffff, v12, v12;
	v4 =	vmax.f32 v4, v14;
	v12, _, _ =	vpop (xrf1)  }
0x45: {  	v14 =	vld [tilespmem:s20+$0x1C00];
	(xrf1) =	vsort.ascd.msk.f32 $0xffff, v8, v8;
	v8, _, _ =	vpop (xrf1)  }
0x46: {  	(xrf1) =	vsort.ascd.msk.f32 $0xffff, v10, v10;
	v10 =	vperm.xlane v13, v0;
	v13, _, _ =	vpop (xrf1)  }
0x47: {  	(xrf1) =	vsort.ascd.msk.f32 $0xffff, v9, v9;
	v9, _, _ =	vpop (xrf1)  }
0x48: {  	(xrf1) =	vsort.ascd.msk.f32 $0xffff, v15, v15;
	v17 =	vmin.f32 v7, v9;
	v16, _, _ =	vpop (xrf1)  }
0x49: {  	v3 =	vperm.xlane v3, v0;
	(xrf1) =	vsort.ascd.msk.f32 $0xffff, v17, v17;
	v15, _, _ =	vpop (xrf1)  }
0x4a: {  	v2 =	vmax.f32 v2, v5;
	v5 =	vmin.f32 v4, v8;
	(xrf1) =	vsort.ascd.msk.f32 $0xffff, v11, v11;
	v11, _, _ =	vpop (xrf1)  }
0x4b: {  	(xrf1) =	vsort.ascd.msk.f32 $0xffff, v14, v14;
	v14 =	vmin.f32 v2, v13;
	v17, _, _ =	vpop (xrf1)  }
0x4c: {  	v18 =	vperm.xlane v1, v0;
	v1 =	vmax.f32 v4, v8;
	(xrf1) =	vsort.ascd.msk.f32 $0xffff, v5, v5;
	v4, _, _ =	vpop (xrf1)  }
0x4d: {  	v5 =	vmax.f32 v2, v13;
	v3 =	vmax.f32 v4, v3;
	(xrf1) =	vsort.ascd.msk.f32 $0xffff, v14, v14;
	v2, _, _ =	vpop (xrf1)  }
0x4e: {  	v8 =	vperm.xlane v12, v0;
	(xrf1) =	vsort.ascd.msk.f32 $0xffff, v6, v6;
	v6 =	vmax.f32 v16, v10;
	v10, _, _ =	vpop (xrf1)  }
0x4f: {  	v7 =	vmax.f32 v7, v9;
	v9 =	vmin.f32 v6, v11;
	(xrf1) =	vsort.ascd.msk.f32 $0xffff, v1, v1;
	v12, _, _ =	vpop (xrf1)  }
0x50: {  	v8 =	vmax.f32 v17, v8;
	v13 =	vmax.f32 v6, v11;
	v4, _, _ =	vpop (xrf1);
	(xrf1) =	vsort.ascd.msk.f32 $0xffff, v5, v5  }
.Ltmp0:
0x51: {  	v14 =	vmin.f32 v8, v15;
	v11 =	vmax.f32 v8, v15;
	v5, _, _ =	vpop (xrf1);
	(xrf1) =	vsort.ascd.msk.f32 $0xffff, v7, v7;
	(pc) =	sbr.rel @p0 .LBB2_2-.Ltmp0, $4  }
0x52: {  	v8 =	vmin.f32 v3, v12;
	v1, _, _ =	vpop (xrf1);
	(xrf1) =	vsort.ascd.msk.f32 $0xffff, v9, v9  }
0x53: {  	v6 =	vmax.f32 v3, v12;
	v9, _, _ =	vpop (xrf1);
	(xrf1) =	vsort.ascd.msk.f32 $0xffff, v11, v11  }
0x54: {  	v11 =	vmax.f32 v10, v18;
	v7, _, _ =	vpop (xrf1);
	(xrf1) =	vsort.ascd.msk.f32 $0xffff, v13, v13  }
0x55: {  	s19 =	sadd.s32 $0x10, s19;
	v9 =	vperm.xlane v9, v0;
	v10 =	vmin.f32 v11, v2;
	v3, _, _ =	vpop (xrf1);
	(xrf1) =	vsort.ascd.msk.f32 $0xffff, v14, v14  }
0x56: {  	v12, _, _ =	vpop (xrf1);
	v2 =	vmax.f32 v11, v2  }
0x57: {  	v13, _, _ =	vpop (xrf1)  }
0x58: {  	(xrf1) =	vsort.ascd.msk.f32 $0xffff, v8, v8;
	v8, _, _ =	vpop (xrf1)  }
0x59: {  	(xrf1) =	vsort.ascd.msk.f32 $0xffff, v2, v2;
	v2, _, _ =	vpop (xrf1)  }
0x5a: {  	(xrf1) =	vsort.ascd.msk.f32 $0xffff, v10, v10;
	v10, _, _ =	vpop (xrf1)  }
0x5b: {  	v7 =	vperm.xlane v7, v0;
	v5 =	vmax.f32 v5, v9;
	(xrf1) =	vsort.ascd.msk.f32 $0xffff, v6, v6;
	v6, _, _ =	vpop (xrf1)  }
0x5c: {  	v11, _, _ =	vpop (xrf1)  }
0x5d: {  	v9, _, _ =	vpop (xrf1)  }
0x5e: {  	v14 =	vmin.f32 v5, v4;
	v4 =	vmax.f32 v5, v4;
	v2 =	vperm.xlane v2, v0;
	v5, _, _ =	vpop (xrf1)  }
0x5f: {  	v8 =	vperm.xlane v8, v0;
	(xrf1) =	vsort.ascd.msk.f32 $0xffff, v4, v4;
	v4 =	vmax.f32 v13, v7;
	v7, _, _ =	vpop (xrf1)  }
0x60: {  	v2 =	vmax.f32 v10, v2;
	v10 =	vmin.f32 v4, v7  }
0x61: {  	(xrf1) =	vsort.ascd.msk.f32 $0xffff, v14, v14;
	v6 =	vmax.f32 v6, v8  }
0x62: {  	v8 =	vmin.f32 v2, v9;
	v2 =	vmax.f32 v2, v9;
	(xrf1) =	vsort.ascd.msk.f32 $0xffff, v10, v10  }
0x63: {  	v13 =	vmin.f32 v6, v5;
	(xrf1) =	vsort.ascd.msk.f32 $0xffff, v8, v8;
	v8 =	vperm.xlane v12, v0;
	v10, _, _ =	vpop (xrf1)  }
0x64: {  	v5 =	vmax.f32 v6, v5;
	v6 =	vperm.xlane v11, v0;
	(xrf1) =	vsort.ascd.msk.f32 $0xffff, v13, v13;
	v12, _, _ =	vpop (xrf1)  }
0x65: {  	v4 =	vmax.f32 v4, v7;
	(xrf1) =	vsort.ascd.msk.f32 $0xffff, v2, v2;
	v8 =	vmax.f32 v10, v8;
	v9, _, _ =	vpop (xrf1)  }
0x66: {  	(xrf1) =	vsort.ascd.msk.f32 $0xffff, v5, v5;
	v2, _, _ =	vpop (xrf1);
	v7 =	vmin.f32 v8, v9  }
0x67: {  	v3 =	vperm.xlane v3, v0;
	v5, _, _ =	vpop (xrf1);
	v2 =	vmax.f32 v2, v6;
	(xrf1) =	vsort.ascd.msk.f32 $0xffff, v4, v4  }
0x68: {  	v1 =	vperm.xlane v1, v0;
	v4, _, _ =	vpop (xrf1);
	v6 =	vmax.f32 v2, v12;
	(xrf1) =	vsort.ascd.msk.f32 $0xffff, v7, v7  }
0x69: {  	v8 =	vmax.f32 v8, v9;
	v3 =	vmax.f32 v5, v3;
	v7, _, _ =	vpop (xrf1);
	(xrf1) =	vsort.ascd.msk.f32 $0xffff, v6, v6  }
0x6a: {  	v2 =	vmin.f32 v2, v12;
	v5, _, _ =	vpop (xrf1);
	(xrf1) =	vsort.ascd.msk.f32 $0xffff, v8, v8;
	v1 =	vmax.f32 v7, v1  }
0x6b: {  	v6 =	vmin.f32 v3, v5;
	(xrf1) =	vsort.ascd.msk.f32 $0xffff, v2, v2;
	v2 =	vmax.f32 v1, v4  }
0x6c: {  	v1 =	vmin.f32 v1, v4;
	(xrf1) =	vsort.ascd.msk.f32 $0xffff, v6, v6  }
0x6d: {  	(xrf1) =	vsort.ascd.msk.f32 $0xffff, v2, v2  }
0x6e: {  	v3 =	vmax.f32 v3, v5;
	v2, _, _ =	vpop (xrf1);
	(xrf1) =	vsort.ascd.msk.f32 $0xffff, v1, v1  }
0x6f: {  	v1, _, _ =	vpop (xrf1)  }
0x70: {  	v4, _, _ =	vpop (xrf1);
	(xrf1) =	vsort.ascd.msk.f32 $0xffff, v3, v3  }
0x71: {  	v3, _, _ =	vpop (xrf1)  }
0x72: {  	v5, _, _ =	vpop (xrf1)  }
0x73: {  	v6, _, _ =	vpop (xrf1)  }
0x74: {  	v7, _, _ =	vpop (xrf1)  }
0x75: {  	v8, _, _ =	vpop (xrf1)  }
0x76: {  	v9, _, _ =	vpop (xrf1)  }
0x77: {  	v10, _, _ =	vpop (xrf1)  }
0x78: {  	v11, _, _ =	vpop (xrf1)  }
0x79: {  	v12, _, _ =	vpop (xrf1)  }
0x7a: {  	v2 =	vperm.xlane v2, v0;
	v1 =	vperm.xlane v1, v0;
	v13, _, _ =	vpop (xrf1)  }
0x7b: {  	v4 =	vperm.xlane v4, v0;
	v3 =	vperm.xlane v3, v0;
	v14, _, _ =	vpop (xrf1)  }
0x7c: {  	v6 =	vperm.xlane v6, v0;
	v8 =	vperm.xlane v8, v0;
	v15, _, _ =	vpop (xrf1)  }
0x7d: {  	v9 =	vperm.xlane v9, v0;
	v1 =	vmax.f32 v14, v1;
	v2 =	vmax.f32 v15, v2  }
0x7e: {  	v14 =	vmin.f32 v2, v1;
	v15, _, _ =	vpop (xrf1);
	v1 =	vmax.f32 v2, v1;
	v2 =	vmax.f32 v13, v8  }
0x7f: {  	v8 =	vperm.xlane v11, v0;
	(xrf1) =	vsort.ascd.msk.f32 $0xffff, v14, v14;
	v4 =	vmax.f32 v15, v4  }
0x80: {  	(xrf1) =	vsort.ascd.msk.f32 $0xffff, v1, v1;
	v1 =	vmin.f32 v2, v4;
	v2 =	vmax.f32 v2, v4  }
0x81: {  	v4 =	vmax.f32 v10, v9;
	(xrf1) =	vsort.ascd.msk.f32 $0xffff, v1, v1;
	v1 =	vmax.f32 v12, v8  }
0x82: {  	v3 =	vmax.f32 v7, v3;
	(xrf1) =	vsort.ascd.msk.f32 $0xffff, v2, v2;
	v2 =	vmin.f32 v1, v4  }
0x83: {  	v1 =	vmax.f32 v1, v4;
	(xrf1) =	vsort.ascd.msk.f32 $0xffff, v2, v2;
	v2 =	vmax.f32 v5, v6  }
0x84: {  	(xrf1) =	vsort.ascd.msk.f32 $0xffff, v1, v1;
	v1 =	vmin.f32 v2, v3  }
0x85: {  	v2 =	vmax.f32 v2, v3;
	(xrf1) =	vsort.ascd.msk.f32 $0xffff, v1, v1  }
0x86: {  	(xrf1) =	vsort.ascd.msk.f32 $0xffff, v2, v2;
	_ =	sdelay $0x6  }
0x87: {  	v1, _, _ =	vpop (xrf1)  }
0x88: {  	v2, _, _ =	vpop (xrf1)  }
0x89: {  	v3, _, _ =	vpop (xrf1)  }
0x8a: {  	v4, _, _ =	vpop (xrf1)  }
0x8b: {  	v5, _, _ =	vpop (xrf1)  }
0x8c: {  	v3 =	vperm.xlane v3, v0;
	v6, _, _ =	vpop (xrf1)  }
0x8d: {  	v4 =	vperm.xlane v4, v0;
	v7, _, _ =	vpop (xrf1)  }
0x8e: {  	v2 =	vmax.f32 v2, v3;
	v8, _, _ =	vpop (xrf1)  }
0x8f: {  	v1 =	vmax.f32 v1, v4;
	v4 =	vperm.xlane v7, v0;
	v3 =	vperm.xlane v8, v0  }
0x90: {  	v7 =	vmin.f32 v1, v2;
	v1 =	vmax.f32 v1, v2  }
0x91: {  	(xrf1) =	vsort.ascd.msk.f32 $0xffff, v7, v7;
	v2 =	vmax.f32 v5, v3;
	v3 =	vmax.f32 v6, v4  }
0x92: {  	(xrf1) =	vsort.ascd.msk.f32 $0xffff, v1, v1;
	v1 =	vmin.f32 v2, v3  }
0x93: {  	v2 =	vmax.f32 v2, v3;
	(xrf1) =	vsort.ascd.msk.f32 $0xffff, v1, v1  }
0x94: {  	(xrf1) =	vsort.ascd.msk.f32 $0xffff, v2, v2;
	_ =	sdelay $0xa  }
0x95: {  	v1, _, _ =	vpop (xrf1)  }
0x96: {  	v2, _, _ =	vpop (xrf1)  }
0x97: {  	v3, _, _ =	vpop (xrf1)  }
0x98: {  	v4, _, _ =	vpop (xrf1)  }
0x99: {  	v3 =	vperm.xlane v3, v0;
	v4 =	vperm.xlane v4, v0;
	_ =	sdelay $0x1  }
0x9a: {  	v2 =	vmax.f32 v2, v3;
	v4 =	vmax.f32 v1, v4  }
0x9b: {  	v3 =	vmin.f32 v4, v2  }
0x9c: {  	(xrf0) =	vmin.scan.msk.f32 $0xffff, v3;
	_ =	sdelay $0x5  }
0x9d: {  	v1, _, _ =	vpop (xrf0)  }
0x9e: {  	v1 =	vadd.f32 $1.000000010e-07, v1;
	_ =	sdelay $0x1  }
0x9f: {  	v1 =	vbroadcast v1, $0xF  }
0xa0: {  	v2 =	vmax.f32 v4, v2  }
0xa1: {  	v3 =	vsub.f32 v3, v1;
	v2 =	vsub.f32 v2, v1;
	_ =	sdelay $0x1  }
0xa2: {  	v3 =	vmax.f32 v3, $0.0e+00;
	v2 =	vmax.f32 v2, $0.0e+00  }
0xa3: {  	v2 =	vadd.f32 v2, v3;
	_ =	sdelay $0x1  }
0xa4: {  	(xrf2) =	vadd.scan.msk.f32 $0xffff, v2;
	_ =	sdelay $0x9  }
0xa5: {  	v2, _, _ =	vpop (xrf2)  }
0xa6: {  	v2 =	vadd.f32 $1.000000010e-07, v2;
	_ =	sdelay $0x1  }
0xa7: {  	v2 =	vbroadcast v2, $0xF;
	_ =	sdelay $0x1  }
0xa8: {  	(erf) = vrcp.f32 v2;
	_ =	sdelay $0x8  }
0xa9: {  	v2 =	vpop (erf)  }
0xaa: {  	_ =	swait.ge [sflag:s12], $0x2000  }
0xab: {  	[sflag:s12] =	ssyncset.done $0x0  }
0xac: {  	s19 =	simm.s32 $0x40;
	[sflag:s12] =	ssyncadd.s32 $0xFFFFE000  }
0xad: {  	v3 =	vld [tilespmem:s19+$0xFFFFFFC0];
	_ =	sdelay $0x1  }
0xae: {  	s18 =	simm.s32 $0x0;
	s20 =	simm.s32 $0x2000  }
0xaf: {  	s31 =	sand.u32 $0x3F0, s18;
	v4 =	vld [tilespmem:s20+$0x0]  }
0xb0: {  	v5 =	vld [tilespmem:s31+$0x3C00]  }
0xb1: {  	v6 =	vld [tilespmem:s31+$0x3800];
	v3 =	vsub.f32 v3, v1  }
0xb2: {  	v7 =	vld [tilespmem:s31+$0x3400]  }
0xb3: {  	v8 =	vld [tilespmem:s31+$0x3000];
	v3 =	vmax.f32 v3, $0.0e+00  }
0xb4: {  	v9 =	vld [tilespmem:s31+$0x2C00];
	v3 =	vmul.f32 v3, v2  }
0xb5: {  	s18 =	simm.s32 $0x4040;
	v10 =	vld [tilespmem:s31+$0x2800]  }
0xb6: {  	v11 =	vld [tilespmem:s31+$0x2400];
	[tilespmem:s18+$0xFFFFFFC0] =	vst v3  }
0xb7: {  	v3 =	vld [tilespmem:s19+$0xFFFFFFD0];
	_ =	sdelay $0x4  }
0xb8: {  	v3 =	vsub.f32 v3, v1;
	_ =	sdelay $0x1  }
0xb9: {  	v3 =	vmax.f32 v3, $0.0e+00  }
0xba: {  	v3 =	vmul.f32 v3, v2;
	_ =	sdelay $0x1  }
0xbb: {  	[tilespmem:s18+$0xFFFFFFD0] =	vst v3  }
0xbc: {  	v3 =	vld [tilespmem:s19+$0xFFFFFFE0];
	_ =	sdelay $0x4  }
0xbd: {  	v3 =	vsub.f32 v3, v1;
	_ =	sdelay $0x1  }
0xbe: {  	v3 =	vmax.f32 v3, $0.0e+00  }
0xbf: {  	v3 =	vmul.f32 v3, v2;
	_ =	sdelay $0x1  }
0xc0: {  	[tilespmem:s18+$0xFFFFFFE0] =	vst v3  }
0xc1: {  	v3 =	vld [tilespmem:s19+$0xFFFFFFF0];
	_ =	sdelay $0x4  }
0xc2: {  	v3 =	vsub.f32 v3, v1  }
0xc3: {  	(xrf1) =	vsort.ascd.msk.f32 $0xffff, v4, v4  }
0xc4: {  	(xrf1) =	vsort.ascd.msk.f32 $0xffff, v5, v5;
	v3 =	vmax.f32 v3, $0.0e+00  }
0xc5: {  	v3 =	vmul.f32 v3, v2;
	_ =	sdelay $0x1  }
0xc6: {  	(xrf1) =	vsort.ascd.msk.f32 $0xffff, v6, v6;
	[tilespmem:s18+$0xFFFFFFF0] =	vst v3  }
0xc7: {  	(xrf1) =	vsort.ascd.msk.f32 $0xffff, v7, v7;
	v3 =	vld [tilespmem:s19+$0x0];
	_ =	sdelay $0x2  }
0xc8: {  	(xrf1) =	vsort.ascd.msk.f32 $0xffff, v8, v8;
	_ =	sdelay $0x1  }
0xc9: {  	(xrf1) =	vsort.ascd.msk.f32 $0xffff, v9, v9;
	v3 =	vsub.f32 v3, v1  }
0xca: {  	(xrf1) =	vsort.ascd.msk.f32 $0xffff, v10, v10  }
0xcb: {  	v3 =	vmax.f32 v3, $0.0e+00  }
0xcc: {  	v3 =	vmul.f32 v3, v2  }
0xcd: {  	(xrf1) =	vsort.ascd.msk.f32 $0xffff, v11, v11;
	v4, _, _ =	vpop (xrf1)  }
0xce: {  	v5, _, _ =	vpop (xrf1);
	[tilespmem:s18+$0x0] =	vst v3  }
0xcf: {  	v3 =	vperm.xlane v5, v0;
	v6 =	vld [tilespmem:s19+$0x10]  }
0xd0: {  	v7 =	vimm.f32 $-Inf  }
0xd1: {  	v5, _, _ =	vpop (xrf1);
	v3 =	vmax.f32 v7, v3  }
0xd2: {  	v5 =	vperm.xlane v5, v0;
	v8, _, _ =	vpop (xrf1);
	v9 =	vmin.f32 v3, v7  }
0xd3: {  	v8 =	vperm.xlane v8, v0;
	v3 =	vmax.f32 v3, v7;
	(xrf1) =	vsort.ascd.msk.f32 $0xffff, v9, v9  }
0xd4: {  	v5 =	vmax.f32 v7, v5;
	(xrf1) =	vsort.ascd.msk.f32 $0xffff, v3, v3;
	v3 =	vsub.f32 v6, v1  }
0xd5: {  	v10 =	vmin.f32 v5, v7;
	v5 =	vmax.f32 v5, v7;
	v8 =	vmax.f32 v7, v8;
	v9, _, _ =	vpop (xrf1)  }
0xd6: {  	v11 =	vmin.f32 v8, v7;
	(xrf1) =	vsort.ascd.msk.f32 $0xffff, v10, v10;
	v9 =	vperm.xlane v9, v0;
	v3 =	vmax.f32 v3, $0.0e+00  }
0xd7: {  	v8 =	vmax.f32 v8, v7;
	v6, _, _ =	vpop (xrf1);
	(xrf1) =	vsort.ascd.msk.f32 $0xffff, v5, v5;
	v3 =	vmul.f32 v3, v2  }
0xd8: {  	v6 =	vperm.xlane v6, v0;
	v5, _, _ =	vpop (xrf1);
	(xrf1) =	vsort.ascd.msk.f32 $0xffff, v11, v11;
	v9 =	vmax.f32 v7, v9  }
0xd9: {  	v5 =	vperm.xlane v5, v0;
	(xrf1) =	vsort.ascd.msk.f32 $0xffff, v8, v8;
	v8 =	vmin.f32 v9, v7  }
0xda: {  	v6 =	vmax.f32 v7, v6;
	v9 =	vmax.f32 v9, v7;
	(xrf1) =	vsort.ascd.msk.f32 $0xffff, v8, v8;
	[tilespmem:s18+$0x10] =	vst v3  }
0xdb: {  	v8 =	vmin.f32 v6, v7;
	v5 =	vmax.f32 v7, v5;
	(xrf1) =	vsort.ascd.msk.f32 $0xffff, v9, v9;
	v9 =	vld [tilespmem:s19+$0x20];
	v3, _, _ =	vpop (xrf1)  }
0xdc: {  	v6 =	vmax.f32 v6, v7;
	(xrf1) =	vsort.ascd.msk.f32 $0xffff, v8, v8;
	v3 =	vperm.xlane v3, v0  }
0xdd: {  	v4 =	vperm.xlane v4, v0;
	v8 =	vmin.f32 v5, v7;
	(xrf1) =	vsort.ascd.msk.f32 $0xffff, v6, v6  }
0xde: {  	v5 =	vmax.f32 v5, v7;
	(xrf1) =	vsort.ascd.msk.f32 $0xffff, v8, v8;
	v3 =	vmax.f32 v7, v3  }
0xdf: {  	v4 =	vmax.f32 v7, v4;
	(xrf1) =	vsort.ascd.msk.f32 $0xffff, v5, v5;
	v6 =	vmin.f32 v3, v7  }
0xe0: {  	v3 =	vmax.f32 v3, v7;
	v5 =	vsub.f32 v9, v1;
	(xrf1) =	vsort.ascd.msk.f32 $0xffff, v6, v6  }
0xe1: {  	v6 =	vmin.f32 v4, v7;
	(xrf1) =	vsort.ascd.msk.f32 $0xffff, v3, v3  }
0xe2: {  	v15, _, _ =	vpop (xrf1);
	v3 =	vmax.f32 v4, v7;
	v4 =	vmax.f32 v5, $0.0e+00;
	(xrf1) =	vsort.ascd.msk.f32 $0xffff, v6, v6  }
0xe3: {  	v13, _, _ =	vpop (xrf1);
	(xrf1) =	vsort.ascd.msk.f32 $0xffff, v3, v3;
	v3 =	vmul.f32 v4, v2;
	_ =	sdelay $0x1  }
0xe4: {  	v17, _, _ =	vpop (xrf1);
	[tilespmem:s18+$0x20] =	vst v3  }
0xe5: {  	v16, _, _ =	vpop (xrf1);
	v3 =	vld [tilespmem:s19+$0x30]  }
0xe6: {  	v14, _, _ =	vpop (xrf1)  }
0xe7: {  	v12, _, _ =	vpop (xrf1)  }
0xe8: {  	v10, _, _ =	vpop (xrf1)  }
0xe9: {  	v7, _, _ =	vpop (xrf1)  }
0xea: {  	v11, _, _ =	vpop (xrf1);
	v3 =	vsub.f32 v3, v1  }
0xeb: {  	v6, _, _ =	vpop (xrf1)  }
0xec: {  	v9, _, _ =	vpop (xrf1);
	v3 =	vmax.f32 v3, $0.0e+00  }
0xed: {  	v5, _, _ =	vpop (xrf1);
	v8 =	vmul.f32 v3, v2  }
0xee: {  	v4, _, _ =	vpop (xrf1)  }
0xef: {  	v3, _, _ =	vpop (xrf1)  }
0xf0: {  	s19 =	simm.s32 $0xC0;
	[tilespmem:s18+$0x30] =	vst v8;
	v18, _, _ =	vpop (xrf1)  }
0xf1: {  	s22 =	simm.s32 $0x20;
	s21 =	simm.s32 $0x2010;
	s20 =	simm.s32 $0x10;
	v19 =	vld [tilespmem:s19+$0xFFFFFFC0];
	v8, _, _ =	vpop (xrf1)  }
.LBB2_4:
0xf2: {  	p0 =	sne.s32 s22, $0x3F0;
	v20 =	vld [tilespmem:s21+$0x0];
	s23 =	sand.u32 $0x3F0, s20;
	s20 =	smov.u32 s22  }
0xf3: {  	v21 =	vld [tilespmem:s23+$0x3C00]  }
0xf4: {  	v22 =	vld [tilespmem:s23+$0x3800]  }
0xf5: {  	v23 =	vld [tilespmem:s23+$0x3400]  }
0xf6: {  	v24 =	vld [tilespmem:s23+$0x3000];
	v19 =	vsub.f32 v19, v1  }
0xf7: {  	v25 =	vld [tilespmem:s23+$0x2C00];
	(xrf1) =	vsort.ascd.msk.f32 $0xffff, v20, v20  }
0xf8: {  	v20 =	vld [tilespmem:s23+$0x2800];
	v19 =	vmax.f32 v19, $0.0e+00;
	(xrf1) =	vsort.ascd.msk.f32 $0xffff, v21, v21  }
0xf9: {  	v21 =	vld [tilespmem:s23+$0x2400];
	v19 =	vmul.f32 v19, v2;
	(xrf1) =	vsort.ascd.msk.f32 $0xffff, v22, v22  }
0xfa: {  	s18 =	sadd.s32 $0x80, s18;
	(xrf1) =	vsort.ascd.msk.f32 $0xffff, v23, v23  }
0xfb: {  	[tilespmem:s18+$0xFFFFFFC0] =	vst v19;
	(xrf1) =	vsort.ascd.msk.f32 $0xffff, v24, v24  }
0xfc: {  	v19 =	vld [tilespmem:s19+$0xFFFFFFD0];
	(xrf1) =	vsort.ascd.msk.f32 $0xffff, v25, v25  }
0xfd: {  	(xrf1) =	vsort.ascd.msk.f32 $0xffff, v20, v20  }
0xfe: {  	(xrf1) =	vsort.ascd.msk.f32 $0xffff, v21, v21;
	_ =	sdelay $0x2  }
0xff: {  	v19 =	vsub.f32 v19, v1;
	_ =	sdelay $0x1  }
0x100: {  	v19 =	vmax.f32 v19, $0.0e+00  }
0x101: {  	v21 =	vmul.f32 v19, v2  }
0x102: {  	v20, _, _ =	vpop (xrf1)  }
0x103: {  	v20 =	vperm.xlane v20, v0;
	[tilespmem:s18+$0xFFFFFFD0] =	vst v21;
	v19, _, _ =	vpop (xrf1)  }
0x104: {  	v24 =	vperm.xlane v19, v0;
	v21 =	vld [tilespmem:s19+$0xFFFFFFE0];
	v22, _, _ =	vpop (xrf1)  }
0x105: {  	v18 =	vmax.f32 v18, v20;
	v20 =	vperm.xlane v22, v0;
	v22, _, _ =	vpop (xrf1)  }
0x106: {  	v23 =	vmin.f32 v18, v8;
	v22 =	vperm.xlane v22, v0;
	v24 =	vmax.f32 v15, v24;
	v19, _, _ =	vpop (xrf1)  }
0x107: {  	v25 =	vmax.f32 v17, v20;
	v20 =	vmin.f32 v24, v13;
	v13 =	vmax.f32 v24, v13;
	v15, _, _ =	vpop (xrf1)  }
0x108: {  	v24 =	vmin.f32 v25, v16;
	v16 =	vmax.f32 v25, v16;
	v17, _, _ =	vpop (xrf1);
	(xrf1) =	vsort.ascd.msk.f32 $0xffff, v20, v20  }
0x109: {  	v14 =	vmax.f32 v14, v22;
	v20 =	vsub.f32 v21, v1;
	v21, _, _ =	vpop (xrf1);
	(xrf1) =	vsort.ascd.msk.f32 $0xffff, v13, v13  }
0x10a: {  	v13 =	vmin.f32 v14, v12;
	v12 =	vmax.f32 v14, v12;
	(xrf1) =	vsort.ascd.msk.f32 $0xffff, v24, v24  }
0x10b: {  	v14 =	vperm.xlane v15, v0;
	v15 =	vperm.xlane v19, v0;
	v19 =	vmax.f32 v20, $0.0e+00;
	(xrf1) =	vsort.ascd.msk.f32 $0xffff, v16, v16  }
0x10c: {  	v16 =	vperm.xlane v17, v0;
	v17 =	vmul.f32 v19, v2;
	(xrf1) =	vsort.ascd.msk.f32 $0xffff, v13, v13  }
0x10d: {  	v11 =	vmax.f32 v11, v14;
	v10 =	vmax.f32 v10, v15;
	(xrf1) =	vsort.ascd.msk.f32 $0xffff, v12, v12  }
0x10e: {  	v13 =	vmin.f32 v10, v7;
	v7 =	vmax.f32 v10, v7;
	v12 =	vmin.f32 v11, v6;
	[tilespmem:s18+$0xFFFFFFE0] =	vst v17  }
0x10f: {  	v9 =	vmax.f32 v9, v16;
	v6 =	vmax.f32 v11, v6;
	v10 =	vld [tilespmem:s19+$0xFFFFFFF0];
	(xrf1) =	vsort.ascd.msk.f32 $0xffff, v13, v13  }
0x110: {  	v11 =	vmin.f32 v9, v5;
	v5 =	vmax.f32 v9, v5;
	(xrf1) =	vsort.ascd.msk.f32 $0xffff, v7, v7  }
0x111: {  	v7 =	vmax.f32 v18, v8;
	v8 =	vperm.xlane v21, v0;
	(xrf1) =	vsort.ascd.msk.f32 $0xffff, v12, v12  }
0x112: {  	(xrf1) =	vsort.ascd.msk.f32 $0xffff, v6, v6  }
0x113: {  	v4 =	vmax.f32 v4, v8;
	(xrf1) =	vsort.ascd.msk.f32 $0xffff, v11, v11  }
0x114: {  	v6 =	vmin.f32 v4, v3;
	v8 =	vsub.f32 v10, v1;
	(xrf1) =	vsort.ascd.msk.f32 $0xffff, v5, v5  }
0x115: {  	v3 =	vmax.f32 v4, v3;
	(xrf1) =	vsort.ascd.msk.f32 $0xffff, v6, v6  }
0x116: {  	v4 =	vmax.f32 v8, $0.0e+00;
	(xrf1) =	vsort.ascd.msk.f32 $0xffff, v3, v3;
	v15, _, _ =	vpop (xrf1)  }
0x117: {  	v3 =	vmul.f32 v4, v2;
	(xrf1) =	vsort.ascd.msk.f32 $0xffff, v23, v23;
	v13, _, _ =	vpop (xrf1)  }
0x118: {  	(xrf1) =	vsort.ascd.msk.f32 $0xffff, v7, v7;
	v17, _, _ =	vpop (xrf1)  }
0x119: {  	[tilespmem:s18+$0xFFFFFFF0] =	vst v3;
	v16, _, _ =	vpop (xrf1)  }
0x11a: {  	v3 =	vld [tilespmem:s19+$0x0];
	v14, _, _ =	vpop (xrf1)  }
0x11b: {  	v12, _, _ =	vpop (xrf1);
	_ =	sdelay $0x1  }
0x11c: {  	v10, _, _ =	vpop (xrf1)  }
0x11d: {  	v7, _, _ =	vpop (xrf1)  }
0x11e: {  	v3 =	vsub.f32 v3, v1;
	v11, _, _ =	vpop (xrf1)  }
0x11f: {  	v6, _, _ =	vpop (xrf1)  }
0x120: {  	v3 =	vmax.f32 v3, $0.0e+00;
	v9, _, _ =	vpop (xrf1)  }
0x121: {  	v8 =	vmul.f32 v3, v2;
	v5, _, _ =	vpop (xrf1)  }
0x122: {  	v4, _, _ =	vpop (xrf1)  }
0x123: {  	[tilespmem:s18+$0x0] =	vst v8;
	v3, _, _ =	vpop (xrf1)  }
0x124: {  	v19 =	vld [tilespmem:s19+$0x10];
	v18, _, _ =	vpop (xrf1)  }
0x125: {  	v8, _, _ =	vpop (xrf1);
	_ =	sdelay $0x3  }
0x126: {  	v19 =	vsub.f32 v19, v1;
	_ =	sdelay $0x1  }
0x127: {  	v19 =	vmax.f32 v19, $0.0e+00  }
0x128: {  	v19 =	vmul.f32 v19, v2;
	_ =	sdelay $0x1  }
0x129: {  	[tilespmem:s18+$0x10] =	vst v19  }
0x12a: {  	v19 =	vld [tilespmem:s19+$0x20];
	_ =	sdelay $0x4  }
0x12b: {  	v19 =	vsub.f32 v19, v1;
	_ =	sdelay $0x1  }
0x12c: {  	v19 =	vmax.f32 v19, $0.0e+00  }
0x12d: {  	v19 =	vmul.f32 v19, v2;
	_ =	sdelay $0x1  }
0x12e: {  	[tilespmem:s18+$0x20] =	vst v19  }
0x12f: {  	v19 =	vld [tilespmem:s19+$0x30];
	_ =	sdelay $0x4  }
0x130: {  	v19 =	vsub.f32 v19, v1;
	_ =	sdelay $0x1  }
.Ltmp1:
0x131: {  	v19 =	vmax.f32 v19, $0.0e+00;
	(pc) =	sbr.rel @p0 .LBB2_4-.Ltmp1, $3  }
0x132: {  	v19 =	vmul.f32 v19, v2;
	_ =	sdelay $0x1  }
0x133: {  	s19 =	sadd.s32 $0x80, s19;
	[tilespmem:s18+$0x30] =	vst v19  }
0x134: {  	s22 =	sadd.s32 $0x10, s22;
	s21 =	sadd.s32 $0x10, s21;
	v19 =	vld [tilespmem:s19+$0xFFFFFFC0]  }
0x135: {  	v20 =	vld [tilespmem:s21+$0x0];
	s20 =	sand.u32 $0x3F0, s20  }
0x136: {  	v21 =	vld [tilespmem:s20+$0x3C00];
	_ =	sdelay $0x1  }
0x137: {  	v22 =	vld [tilespmem:s20+$0x3800]  }
0x138: {  	v23 =	vld [tilespmem:s20+$0x3400]  }
0x139: {  	(xrf1) =	vsort.ascd.msk.f32 $0xffff, v20, v20  }
0x13a: {  	v35 =	vld [tilespmem:s20+$0x3000];
	(xrf1) =	vsort.ascd.msk.f32 $0xffff, v21, v21;
	_ =	sdelay $0x1  }
0x13b: {  	v36 =	vld [tilespmem:s20+$0x2C00];
	(xrf1) =	vsort.ascd.msk.f32 $0xffff, v22, v22  }
0x13c: {  	(xrf1) =	vsort.ascd.msk.f32 $0xffff, v23, v23  }
0x13d: {  	v37 =	vld [tilespmem:s20+$0x2800]  }
0x13e: {  	(xrf1) =	vsort.ascd.msk.f32 $0xffff, v35, v35;
	_ =	sdelay $0x1  }
0x13f: {  	v38 =	vld [tilespmem:s20+$0x2400];
	(xrf1) =	vsort.ascd.msk.f32 $0xffff, v36, v36;
	_ =	sdelay $0x1  }
0x140: {  	(xrf1) =	vsort.ascd.msk.f32 $0xffff, v37, v37;
	_ =	sdelay $0x2  }
0x141: {  	(xrf1) =	vsort.ascd.msk.f32 $0xffff, v38, v38  }
0x142: {  	v39, _, _ =	vpop (xrf1)  }
0x143: {  	v40, _, _ =	vpop (xrf1)  }
0x144: {  	v21 =	vperm.xlane v40, v0  }
0x145: {  	v41, _, _ =	vpop (xrf1)  }
0x146: {  	v22 =	vperm.xlane v41, v0;
	v23, _, _ =	vpop (xrf1);
	v15 =	vmax.f32 v15, v21  }
0x147: {  	v42 =	vperm.xlane v23, v0;
	v43 =	vmin.f32 v15, v13  }
0x148: {  	v45, _, _ =	vpop (xrf1);
	v17 =	vmax.f32 v17, v22;
	v44 =	vmax.f32 v15, v13;
	(xrf1) =	vsort.ascd.msk.f32 $0xffff, v43, v43  }
0x149: {  	v48 =	vperm.xlane v45, v0;
	v22 =	vmin.f32 v17, v16;
	(xrf1) =	vsort.ascd.msk.f32 $0xffff, v44, v44  }
0x14a: {  	v49, _, _ =	vpop (xrf1);
	v46 =	vmax.f32 v17, v16;
	v47 =	vmax.f32 v14, v42;
	(xrf1) =	vsort.ascd.msk.f32 $0xffff, v22, v22  }
0x14b: {  	v15 =	vperm.xlane v49, v0;
	v50 =	vmin.f32 v47, v12;
	(xrf1) =	vsort.ascd.msk.f32 $0xffff, v46, v46  }
0x14c: {  	v52, _, _ =	vpop (xrf1);
	v51 =	vmax.f32 v47, v12;
	v10 =	vmax.f32 v10, v48;
	(xrf1) =	vsort.ascd.msk.f32 $0xffff, v50, v50  }
0x14d: {  	v13 =	vperm.xlane v52, v0;
	v53 =	vmin.f32 v10, v7;
	(xrf1) =	vsort.ascd.msk.f32 $0xffff, v51, v51  }
0x14e: {  	v11 =	vmax.f32 v11, v15;
	v7 =	vmax.f32 v10, v7;
	(xrf1) =	vsort.ascd.msk.f32 $0xffff, v53, v53  }
0x14f: {  	v54 =	vmin.f32 v11, v6;
	v9 =	vmax.f32 v9, v13;
	v10, _, _ =	vpop (xrf1);
	(xrf1) =	vsort.ascd.msk.f32 $0xffff, v7, v7  }
0x150: {  	v6 =	vmax.f32 v11, v6;
	v7 =	vperm.xlane v10, v0;
	(xrf1) =	vsort.ascd.msk.f32 $0xffff, v54, v54  }
0x151: {  	v11 =	vmin.f32 v9, v5;
	v10 =	vperm.xlane v39, v0;
	(xrf1) =	vsort.ascd.msk.f32 $0xffff, v6, v6  }
0x152: {  	v5 =	vmax.f32 v9, v5;
	v4 =	vmax.f32 v4, v7;
	(xrf1) =	vsort.ascd.msk.f32 $0xffff, v11, v11  }
0x153: {  	v6 =	vmin.f32 v4, v3;
	(xrf1) =	vsort.ascd.msk.f32 $0xffff, v5, v5;
	v5 =	vmax.f32 v18, v10  }
0x154: {  	v3 =	vmax.f32 v4, v3;
	(xrf1) =	vsort.ascd.msk.f32 $0xffff, v6, v6;
	v4 =	vmin.f32 v5, v8  }
0x155: {  	(xrf1) =	vsort.ascd.msk.f32 $0xffff, v3, v3;
	v3 =	vmax.f32 v5, v8  }
0x156: {  	v5, _, _ =	vpop (xrf1);
	(xrf1) =	vsort.ascd.msk.f32 $0xffff, v4, v4  }
0x157: {  	v4, _, _ =	vpop (xrf1);
	(xrf1) =	vsort.ascd.msk.f32 $0xffff, v3, v3  }
0x158: {  	v3, _, _ =	vpop (xrf1)  }
0x159: {  	v6, _, _ =	vpop (xrf1)  }
0x15a: {  	v7, _, _ =	vpop (xrf1)  }
0x15b: {  	v8, _, _ =	vpop (xrf1)  }
0x15c: {  	v9, _, _ =	vpop (xrf1)  }
0x15d: {  	v10, _, _ =	vpop (xrf1)  }
0x15e: {  	v11, _, _ =	vpop (xrf1)  }
0x15f: {  	v59 =	vsub.f32 v19, v1;
	v55, _, _ =	vpop (xrf1)  }
0x160: {  	v56, _, _ =	vpop (xrf1)  }
0x161: {  	v16 =	vmax.f32 v59, $0.0e+00;
	v57, _, _ =	vpop (xrf1)  }
0x162: {  	v16 =	vmul.f32 v16, v2;
	v58, _, _ =	vpop (xrf1)  }
0x163: {  	v5 =	vperm.xlane v5, v0;
	v4 =	vperm.xlane v4, v0;
	v60, _, _ =	vpop (xrf1)  }
0x164: {  	v15 =	vperm.xlane v58, v0;
	v61, _, _ =	vpop (xrf1);
	v17 =	vperm.xlane v60, v0  }
0x165: {  	s18 =	sadd.s32 $0x80, s18;
	v3 =	vmax.f32 v3, v4;
	v7 =	vperm.xlane v7, v0;
	v12 =	vperm.xlane v55, v0;
	v62, _, _ =	vpop (xrf1)  }
0x166: {  	[tilespmem:s18+$0xFFFFFFC0] =	vst v16;
	v11 =	vperm.xlane v11, v0;
	v17 =	vmax.f32 v61, v17;
	v15 =	vmax.f32 v62, v15  }
0x167: {  	v63 =	vld [tilespmem:s19+$0xFFFFFFD0];
	v8 =	vperm.xlane v8, v0;
	v12 =	vmax.f32 v56, v12;
	v18 =	vmin.f32 v17, v15  }
0x168: {  	v11 =	vmax.f32 v57, v11;
	v15 =	vmax.f32 v17, v15;
	(xrf1) =	vsort.ascd.msk.f32 $0xffff, v18, v18  }
0x169: {  	v8 =	vmax.f32 v9, v8;
	v14 =	vmin.f32 v12, v11;
	(xrf1) =	vsort.ascd.msk.f32 $0xffff, v15, v15  }
0x16a: {  	v7 =	vmax.f32 v10, v7;
	v11 =	vmax.f32 v12, v11;
	(xrf1) =	vsort.ascd.msk.f32 $0xffff, v14, v14  }
0x16b: {  	v4 =	vmax.f32 v6, v5;
	v9 =	vmin.f32 v8, v7;
	(xrf1) =	vsort.ascd.msk.f32 $0xffff, v11, v11  }
0x16c: {  	v5 =	vsub.f32 v63, v1;
	v7 =	vmax.f32 v8, v7;
	(xrf1) =	vsort.ascd.msk.f32 $0xffff, v9, v9  }
0x16d: {  	v6 =	vmin.f32 v3, v4;
	(xrf1) =	vsort.ascd.msk.f32 $0xffff, v7, v7  }
0x16e: {  	v3 =	vmax.f32 v3, v4;
	v4 =	vmax.f32 v5, $0.0e+00;
	(xrf1) =	vsort.ascd.msk.f32 $0xffff, v6, v6  }
0x16f: {  	(xrf1) =	vsort.ascd.msk.f32 $0xffff, v3, v3;
	v3 =	vmul.f32 v4, v2;
	_ =	sdelay $0x1  }
0x170: {  	[tilespmem:s18+$0xFFFFFFD0] =	vst v3  }
0x171: {  	v3 =	vld [tilespmem:s19+$0xFFFFFFE0];
	_ =	sdelay $0x4  }
0x172: {  	v4, _, _ =	vpop (xrf1);
	v3 =	vsub.f32 v3, v1  }
0x173: {  	v5, _, _ =	vpop (xrf1)  }
0x174: {  	v6, _, _ =	vpop (xrf1);
	v3 =	vmax.f32 v3, $0.0e+00  }
0x175: {  	v7, _, _ =	vpop (xrf1);
	v3 =	vmul.f32 v3, v2  }
0x176: {  	v8, _, _ =	vpop (xrf1)  }
0x177: {  	v6 =	vperm.xlane v6, v0;
	v9, _, _ =	vpop (xrf1)  }
0x178: {  	v7 =	vperm.xlane v7, v0;
	v10, _, _ =	vpop (xrf1)  }
0x179: {  	v5 =	vmax.f32 v5, v6;
	[tilespmem:s18+$0xFFFFFFE0] =	vst v3;
	v3, _, _ =	vpop (xrf1)  }
0x17a: {  	v4 =	vmax.f32 v4, v7;
	v7 =	vld [tilespmem:s19+$0xFFFFFFF0];
	v6 =	vperm.xlane v10, v0;
	v3 =	vperm.xlane v3, v0  }
0x17b: {  	v10 =	vmin.f32 v4, v5;
	v4 =	vmax.f32 v4, v5  }
0x17c: {  	(xrf1) =	vsort.ascd.msk.f32 $0xffff, v10, v10;
	v5 =	vmax.f32 v9, v6;
	v3 =	vmax.f32 v8, v3  }
0x17d: {  	(xrf1) =	vsort.ascd.msk.f32 $0xffff, v4, v4;
	v4 =	vmin.f32 v3, v5  }
0x17e: {  	v3 =	vmax.f32 v3, v5;
	(xrf1) =	vsort.ascd.msk.f32 $0xffff, v4, v4  }
0x17f: {  	v4 =	vsub.f32 v7, v1;
	(xrf1) =	vsort.ascd.msk.f32 $0xffff, v3, v3;
	_ =	sdelay $0x1  }
0x180: {  	v3 =	vmax.f32 v4, $0.0e+00  }
0x181: {  	v3 =	vmul.f32 v3, v2;
	_ =	sdelay $0x1  }
0x182: {  	[tilespmem:s18+$0xFFFFFFF0] =	vst v3  }
0x183: {  	v3 =	vld [tilespmem:s19+$0x0];
	_ =	sdelay $0x4  }
0x184: {  	v4, _, _ =	vpop (xrf1);
	v3 =	vsub.f32 v3, v1  }
0x185: {  	v5, _, _ =	vpop (xrf1)  }
0x186: {  	v3 =	vmax.f32 v3, $0.0e+00;
	v6, _, _ =	vpop (xrf1)  }
0x187: {  	v3 =	vmul.f32 v3, v2;
	v7, _, _ =	vpop (xrf1)  }
0x188: {  	v6 =	vperm.xlane v6, v0;
	v7 =	vperm.xlane v7, v0;
	_ =	sdelay $0x1  }
0x189: {  	[tilespmem:s18+$0x0] =	vst v3;
	v5 =	vmax.f32 v5, v6;
	v4 =	vmax.f32 v4, v7  }
0x18a: {  	v3 =	vld [tilespmem:s19+$0x10];
	v6 =	vmin.f32 v4, v5  }
0x18b: {  	(xrf0) =	vmin.scan.msk.f32 $0xffff, v6;
	_ =	sdelay $0x3  }
0x18c: {  	v3 =	vsub.f32 v3, v1;
	_ =	sdelay $0x1  }
0x18d: {  	v3 =	vmax.f32 v3, $0.0e+00;
	v7, _, _ =	vpop (xrf0)  }
0x18e: {  	v3 =	vmul.f32 v3, v2;
	v7 =	vadd.f32 $1.000000010e-07, v7;
	_ =	sdelay $0x1  }
0x18f: {  	[tilespmem:s18+$0x10] =	vst v3;
	v3 =	vbroadcast v7, $0xF  }
0x190: {  	v4 =	vmax.f32 v4, v5;
	v8 =	vld [tilespmem:s19+$0x20]  }
0x191: {  	v5 =	vsub.f32 v6, v3;
	v4 =	vsub.f32 v4, v3;
	_ =	sdelay $0x1  }
0x192: {  	v5 =	vmax.f32 v5, $0.0e+00;
	v4 =	vmax.f32 v4, $0.0e+00  }
0x193: {  	v4 =	vadd.f32 v4, v5  }
0x194: {  	v6 =	vsub.f32 v8, v1  }
0x195: {  	(xrf2) =	vadd.scan.msk.f32 $0xffff, v4  }
0x196: {  	v5 =	vmax.f32 v6, $0.0e+00  }
0x197: {  	v4 =	vmul.f32 v5, v2;
	_ =	sdelay $0x1  }
0x198: {  	[tilespmem:s18+$0x20] =	vst v4  }
0x199: {  	v4 =	vld [tilespmem:s19+$0x30];
	_ =	sdelay $0x4  }
0x19a: {  	v1 =	vsub.f32 v4, v1;
	v4, _, _ =	vpop (xrf2)  }
0x19b: {  	v4 =	vadd.f32 $1.000000010e-07, v4  }
0x19c: {  	v1 =	vmax.f32 v1, $0.0e+00  }
0x19d: {  	v1 =	vmul.f32 v1, v2;
	v2 =	vbroadcast v4, $0xF;
	_ =	sdelay $0x1  }
0x19e: {  	s19 =	simm.s32 $0x0;
	[tilespmem:s18+$0x30] =	vst v1;
	(erf) = vrcp.f32 v2  }
0x19f: {  	[hbm4b:s5+s8] =	stream.strided.scatter [tilespmem:s13], [sflag:$0x3], $0x2000, s9, s8, $0x38;
	[tilespmem:$0x8000] =	vst v63  }
0x1a0: {  	v1 =	vld [tilespmem:s19+$0x2030]  }
0x1a1: {  	v4 =	vld [tilespmem:s19+$0x2000]  }
0x1a2: {  	v5 =	vld [tilespmem:s19+$0x2010]  }
0x1a3: {  	v7 =	vld [tilespmem:s19+$0x2020];
	_ =	sdelay $0x1  }
0x1a4: {  	s18 =	simm.s32 $0x40;
	v6 =	vsub.f32 v1, v3  }
0x1a5: {  	v2 =	vld [tilespmem:s18+$0x2030];
	v8 =	vsub.f32 v4, v3  }
0x1a6: {  	v4 =	vld [tilespmem:s18+$0x2000];
	v9 =	vsub.f32 v5, v3;
	v5 =	vmax.f32 v6, $0.0e+00;
	v1 =	vpop (erf)  }
0x1a7: {  	v10 =	vsub.f32 v7, v3;
	v6 =	vld [tilespmem:s18+$0x2010];
	v7 =	vmax.f32 v8, $0.0e+00;
	v11 =	vmul.f32 v5, v1  }
0x1a8: {  	v9 =	vmax.f32 v9, $0.0e+00;
	v5 =	vld [tilespmem:s18+$0x2020];
	v8 =	vmul.f32 v7, v1  }
0x1a9: {  	s20 =	simm.s32 $0x200;
	v7 =	vmul.f32 v9, v1;
	v9 =	vmax.f32 v10, $0.0e+00;
	[tilespmem:s19+$0x6030] =	vst v11  }
.LBB2_6:
0x1aa: {  	s21 =	sshra.s32 s20, $0x2;
	p0 =	sne.s32 s20, $0x7F00;
	s20 =	sadd.s32 $0x100, s20;
	v10 =	vsub.f32 v2, v3;
	[tilespmem:s19+$0x6000] =	vst v8;
	v8 =	vmul.f32 v9, v1  }
.Ltmp2:
0x1ab: {  	v2 =	vld [tilespmem:s21+$0x2030];
	v9 =	vsub.f32 v4, v3;
	[tilespmem:s19+$0x6010] =	vst v7;
	(pc) =	sbr.rel @p0 .LBB2_6-.Ltmp2, $4  }
0x1ac: {  	v4 =	vld [tilespmem:s21+$0x2000];
	v7 =	vsub.f32 v6, v3;
	v10 =	vmax.f32 v10, $0.0e+00;
	[tilespmem:s19+$0x6020] =	vst v8;
	s19 =	smov.u32 s18;
	s18 =	smov.u32 s21  }
0x1ad: {  	v6 =	vld [tilespmem:s18+$0x2010];
	v8 =	vmax.f32 v9, $0.0e+00;
	v9 =	vsub.f32 v5, v3;
	v10 =	vmul.f32 v10, v1  }
0x1ae: {  	v5 =	vld [tilespmem:s18+$0x2020];
	v8 =	vmul.f32 v8, v1;
	v7 =	vmax.f32 v7, $0.0e+00  }
0x1af: {  	v7 =	vmul.f32 v7, v1;
	v9 =	vmax.f32 v9, $0.0e+00;
	[tilespmem:s19+$0x6030] =	vst v10  }
0x1b0: {  	v2 =	vsub.f32 v2, v3  }
0x1b1: {  	v4 =	vsub.f32 v4, v3  }
0x1b2: {  	[tilespmem:s19+$0x6000] =	vst v8;
	v62 =	vmul.f32 v9, v1;
	v6 =	vsub.f32 v6, v3;
	v2 =	vmax.f32 v2, $0.0e+00  }
0x1b3: {  	[tilespmem:s19+$0x6010] =	vst v7;
	v4 =	vmax.f32 v4, $0.0e+00;
	v3 =	vsub.f32 v5, v3;
	v2 =	vmul.f32 v2, v1  }
0x1b4: {  	[tilespmem:s19+$0x6020] =	vst v62;
	v4 =	vmul.f32 v4, v1;
	v63 =	vmax.f32 v6, $0.0e+00  }
0x1b5: {  	v5 =	vmul.f32 v63, v1;
	v3 =	vmax.f32 v3, $0.0e+00;
	[tilespmem:s18+$0x6030] =	vst v2  }
0x1b6: {  	[tilespmem:s18+$0x6000] =	vst v4;
	v1 =	vmul.f32 v3, v1  }
0x1b7: {  	[tilespmem:s18+$0x6010] =	vst v5  }
0x1b8: {  	s17 =	sadd.s32 $0x1, s17;
	[tilespmem:s18+$0x6020] =	vst v1  }
0x1b9: {  	[hbm4b:s6+s8] =	stream.strided.scatter [tilespmem:s14], [sflag:$0x4], $0x2000, s9, s8, $0x38;
	[tilespmem:$0x8000] =	vst v63  }
0x1ba: {  	p0 =	sne.s32 s17, s7;
	_ =	swait.ge [sflag:s15], $0x2000  }
.Ltmp3:
0x1bb: {  	[sflag:s15] =	ssyncset.done $0x0;
	(pc) =	sbr.rel @p0 .LBB2_1-.Ltmp3, $4  }
0x1bc: {  	[sflag:s15] =	ssyncadd.s32 $0xFFFFE000  }
0x1bd: {  	_ =	swait.ge [sflag:s16], $0x2000  }
0x1be: {  	[sflag:s16] =	ssyncset.done $0x0  }
0x1bf: {  	[sflag:s16] =	ssyncadd.s32 $0xFFFFE000  }
0x1c0: {  	_ =	sfence.sel $0x180000  }
0x1c1: {  	[bflag:$0x0] =	sbarrier.arrive $0xFFFF  }
0x1c2: {  	p0 =	sne.s32 s1, $0x0;
	_ =	strace $0x90000047  }
0x1c3: {  	s0 =	sadd.s32 @!p0 $0x100000, s0;
	[bflag:$0x2] =	sbarrier.arrive $0xFFFF  }
0x1c4: {  	[sflag:s0] =	ssyncadd.tile.s32 @!p0 $0x1;
	_ =	shalt  }
.Lfunc_end2:
_tile_overlayer_lowered:
.L_overlay_start_2:
0x1c5: {  	(tag) =	ssettag $0x2  }
0x1c6: {  	s0 =	rddreg [dreg:$0x0];
	s2 =	stileid.u32  }
0x1c7: {  	s1 =	rddreg [dreg:$0x1];
	p0 =	sne.s32 s2, $0x0  }
0x1c8: {  	s3 =	rddreg [dreg:$0x2];
	[bflag:$0x3] =	sbarrier.arrive $0xFFFF;
	s2 =	simm.s32 @!p0 $0x1C05  }
0x1c9: {  	[timem:s3], [sflag:s2] =	dma.local @!p0 [hbm:s0], s1  }
0x1ca: {  	s0 =	simm.s32 @!p0 $0x5  }
0x1cb: {  	_ =	swait.ge @!p0 [sflag:s0], s1  }
0x1cc: {  	s1 =	ssub.s32 @!p0 $0x0, s1;
	[sflag:s0] =	ssyncset.done @!p0 $0x0  }
0x1cd: {  	[sflag:s0] =	ssyncadd.s32 @!p0 s1  }
0x1ce: {  	[bflag:$0x3] =	sbarrier.arrive $0xFFFF  }
0x1cf: {  	_ =	shalt  }

</sc_bundles>
